<compile_context>
chip_gen: v7x
topology: tpu7x:2x2x1
jax: 0.10.2.dev20260603
libtpu: 0.0.44.dev20260713+nightly
codegen_flags: <defaults>
</compile_context>

<pallas_src>
import functools

import jax
import jax.numpy as jnp
from jax import lax
from jax.experimental import pallas as pl
from jax.experimental.pallas import tpu as pltpu
from jax.experimental.pallas import tpu_sc as plsc

N_NODES = 10000
N_EDGES = 320000
IN_DIM = 128
HID = 32
OUT = 3

NC = 2
NS = 16
NW = NC * NS
CHUNK = 128
CH0 = 80
CH1 = 80
CHMAX = max(CH0, CH1)
NBUF = 4
E_PAD = NS * (CH0 + CH1) * CHUNK
N_PAD = 10240
ROWS_PER_SUB = N_PAD // NS
TC_BLK = 1024
TC_GRID = N_PAD // TC_BLK
DEGW = 16


def _make_sc_agg(with_deg: bool):
    mesh = plsc.VectorSubcoreMesh(core_axis_name="c", subcore_axis_name="s")
    out_type = [jax.ShapeDtypeStruct((NC, N_PAD, HID), jnp.float32)]
    scratch = [
        pltpu.VMEM((CHMAX, CHUNK), jnp.int32),
        pltpu.VMEM((CHMAX, CHUNK), jnp.int32),
        [pltpu.VMEM((CHUNK, HID), jnp.float32) for _ in range(NBUF)],
        pltpu.VMEM_SHARED((N_PAD, HID), jnp.float32),
        [pltpu.SemaphoreType.DMA for _ in range(NBUF)],
        [pltpu.SemaphoreType.DMA for _ in range(NBUF)],
    ]
    if with_deg:
        out_type.append(jax.ShapeDtypeStruct((NC, N_PAD, DEGW), jnp.float32))
        scratch += [
            pltpu.VMEM((CHUNK, DEGW), jnp.float32),
            pltpu.VMEM_SHARED((N_PAD, DEGW), jnp.float32),
            [pltpu.SemaphoreType.DMA for _ in range(NBUF)],
        ]

    @functools.partial(pl.kernel, out_type=out_type, mesh=mesh,
                       scratch_types=scratch,
                       compiler_params=pltpu.CompilerParams(use_tc_tiling_on_sc=False))
    def agg(table, src3, dst3, zeros_hbm, zeros16_hbm, ones_hbm, *rest):
        if with_deg:
            (acc_out, deg_out, src_v, dst_v, rows, acc_sh, gsem, ssem,
             ones_v, deg_sh, dsem) = rest
        else:
            acc_out, src_v, dst_v, rows, acc_sh, gsem, ssem = rest
        c = lax.axis_index("c")
        s = lax.axis_index("s")
        wid = c * NS + s
        pltpu.sync_copy(zeros_hbm, acc_sh.at[pl.ds(s * ROWS_PER_SUB, ROWS_PER_SUB)])
        if with_deg:
            pltpu.sync_copy(zeros16_hbm, deg_sh.at[pl.ds(s * ROWS_PER_SUB, ROWS_PER_SUB)])
            pltpu.sync_copy(ones_hbm, ones_v)
        pltpu.sync_copy(src3.at[wid], src_v)
        pltpu.sync_copy(dst3.at[wid], dst_v)
        plsc.subcore_barrier()

        def gat(j, b):
            pltpu.async_copy(table.at[src_v.at[j]], rows[b], gsem[b])

        def scat(j, b):
            pltpu.make_async_copy(table.at[src_v.at[j]], rows[b], gsem[b]).wait()
            pltpu.async_copy(rows[b], acc_sh.at[dst_v.at[j]], ssem[b], add=True)
            if with_deg:
                pltpu.async_copy(ones_v, deg_sh.at[dst_v.at[j]], dsem[b], add=True)

        def wait_scat(b):
            pltpu.make_async_copy(rows[b], acc_sh.at[dst_v.at[0]], ssem[b]).wait()
            if with_deg:
                pltpu.make_async_copy(ones_v, deg_sh.at[dst_v.at[0]], dsem[b]).wait()

        cnt = CH0 if CH0 == CH1 else jnp.where(c == 0, CH0, CH1)

        gat(0, 0)
        gat(1, 1)
        gat(2, 2)
        scat(0, 0)
        gat(3, 3)
        scat(1, 1)

        def step(i, carry):
            for b in range(NBUF):
                j = NBUF + i * NBUF + b
                wait_scat(b)
                gat(j, b)
                scat(j - 2, (b + 2) % NBUF)
            return carry

        lax.fori_loop(0, (cnt - NBUF) // NBUF, step, 0)
        scat(cnt - 2, 2)
        scat(cnt - 1, 3)
        for b in range(NBUF):
            wait_scat(b)
        plsc.subcore_barrier()
        r0 = s * ROWS_PER_SUB
        pltpu.sync_copy(acc_sh.at[pl.ds(r0, ROWS_PER_SUB)],
                        acc_out.at[c, pl.ds(r0, ROWS_PER_SUB)])
        if with_deg:
            pltpu.sync_copy(deg_sh.at[pl.ds(r0, ROWS_PER_SUB)],
                            deg_out.at[c, pl.ds(r0, ROWS_PER_SUB)])

    return agg


_sc_agg_deg = _make_sc_agg(True)
_sc_agg = _make_sc_agg(False)


def _dotT(a, w):
    return lax.dot_general(a, w, (((1,), (1,)), ((), ())),
                           preferred_element_type=jnp.float32)


def _tc_pre(x_pad, W1_l, W1_r, b1_l):
    def body(x_ref, wl_ref, wr_ref, b_ref, xl_ref, p1_ref):
        xb = x_ref[...]
        xl_ref[...] = _dotT(xb, wl_ref[...])
        p1_ref[...] = _dotT(xb, wr_ref[...]) + b_ref[...]

    return pl.pallas_call(
        body,
        grid=(TC_GRID,),
        in_specs=[
            pl.BlockSpec((TC_BLK, IN_DIM), lambda i: (i, 0)),
            pl.BlockSpec((HID, IN_DIM), lambda i: (0, 0)),
            pl.BlockSpec((HID, IN_DIM), lambda i: (0, 0)),
            pl.BlockSpec((1, HID), lambda i: (0, 0)),
        ],
        out_specs=[pl.BlockSpec((TC_BLK, HID), lambda i: (i, 0))] * 2,
        out_shape=[jax.ShapeDtypeStruct((N_PAD, HID), jnp.float32)] * 2,
    )(x_pad, W1_l, W1_r, b1_l.reshape(1, HID))


def _tc_mid(acc, deg, pre1, W2_l, W2_r, b2_l):
    def body(acc_ref, deg_ref, p1_ref, wl_ref, wr_ref, b_ref, hl_ref, p2_ref):
        agg = acc_ref[0] + acc_ref[1]
        degf = jnp.maximum((deg_ref[0] + deg_ref[1])[:, 0:1], 1.0)
        h = jnp.maximum(agg / degf + p1_ref[...], 0.0)
        hl_ref[...] = _dotT(h, wl_ref[...])
        p2_ref[...] = _dotT(h, wr_ref[...]) + b_ref[...]

    return pl.pallas_call(
        body,
        grid=(TC_GRID,),
        in_specs=[
            pl.BlockSpec((NC, TC_BLK, HID), lambda i: (0, i, 0)),
            pl.BlockSpec((NC, TC_BLK, DEGW), lambda i: (0, i, 0)),
            pl.BlockSpec((TC_BLK, HID), lambda i: (i, 0)),
            pl.BlockSpec((HID, HID), lambda i: (0, 0)),
            pl.BlockSpec((HID, HID), lambda i: (0, 0)),
            pl.BlockSpec((1, HID), lambda i: (0, 0)),
        ],
        out_specs=[pl.BlockSpec((TC_BLK, HID), lambda i: (i, 0))] * 2,
        out_shape=[jax.ShapeDtypeStruct((N_PAD, HID), jnp.float32)] * 2,
    )(acc, deg, pre1, W2_l, W2_r, b2_l.reshape(1, HID))


def _tc_out(acc2, deg, pre2, W_h, b_h):
    def body(acc_ref, deg_ref, p2_ref, wh_ref, bh_ref, out_ref):
        agg = acc_ref[0] + acc_ref[1]
        degf = jnp.maximum((deg_ref[0] + deg_ref[1])[:, 0:1], 1.0)
        h2 = jnp.maximum(agg / degf + p2_ref[...], 0.0)
        out_ref[...] = _dotT(h2, wh_ref[...]) + bh_ref[...]

    return pl.pallas_call(
        body,
        grid=(TC_GRID,),
        in_specs=[
            pl.BlockSpec((NC, TC_BLK, HID), lambda i: (0, i, 0)),
            pl.BlockSpec((NC, TC_BLK, DEGW), lambda i: (0, i, 0)),
            pl.BlockSpec((TC_BLK, HID), lambda i: (i, 0)),
            pl.BlockSpec((OUT, HID), lambda i: (0, 0)),
            pl.BlockSpec((1, OUT), lambda i: (0, 0)),
        ],
        out_specs=pl.BlockSpec((TC_BLK, OUT), lambda i: (i, 0)),
        out_shape=jax.ShapeDtypeStruct((N_PAD, OUT), jnp.float32),
    )(acc2, deg, pre2, W_h, b_h.reshape(1, OUT))


def kernel(x, edge_index, W1_l, b1_l, W1_r, W2_l, b2_l, W2_r, W_h, b_h):
    src = edge_index[0].astype(jnp.int32)
    dst = edge_index[1].astype(jnp.int32)
    npad = E_PAD - N_EDGES
    e0 = NS * CH0 * CHUNK

    def _split(e, fill):
        ep = jnp.concatenate([e, jnp.full((npad,), fill, jnp.int32)])
        if CH0 == CH1:
            return ep.reshape(NW, CH0, CHUNK)
        p0 = jnp.pad(ep[:e0].reshape(NS, CH0, CHUNK),
                     ((0, 0), (0, CHMAX - CH0), (0, 0)))
        p1 = jnp.pad(ep[e0:].reshape(NS, CH1, CHUNK),
                     ((0, 0), (0, CHMAX - CH1), (0, 0)))
        return jnp.concatenate([p0, p1], axis=0)

    src3 = _split(src, 0)
    dst3 = _split(dst, N_NODES)
    x_pad = jnp.pad(x, ((0, N_PAD - N_NODES), (0, 0)))
    zeros_hbm = jnp.zeros((ROWS_PER_SUB, HID), jnp.float32)
    zeros16_hbm = jnp.zeros((ROWS_PER_SUB, DEGW), jnp.float32)
    ones_hbm = jnp.ones((CHUNK, DEGW), jnp.float32)

    xl, pre1 = _tc_pre(x_pad, W1_l, W1_r, b1_l)
    acc1, deg = _sc_agg_deg(xl, src3, dst3, zeros_hbm, zeros16_hbm, ones_hbm)
    hl, pre2 = _tc_mid(acc1, deg, pre1, W2_l, W2_r, b2_l)
    (acc2,) = _sc_agg(hl, src3, dst3, zeros_hbm, zeros16_hbm, ones_hbm)
    out_pad = _tc_out(acc2, deg, pre2, W_h, b_h)
    return out_pad[:N_NODES]

# --- scband reference (transcript-rebuilt; emitter-appended) ---
"""Pipeline reference for scband-graph-sageclassifier-74723841016089 (READ-ONLY COPY).

The authoritative reference and input builder live on the scoring server;
editing this copy changes nothing except your own understanding.
"""

import jax, jax.numpy as jnp
import numpy as np

N_NODES = 10000
N_EDGES = 320000
IN_DIM = 128
HID = 32
OUT = 3


def setup_inputs(seed: int = 0) -> dict:
    key = jax.random.key(seed)
    ks = jax.random.split(key, 12)
    x = jax.random.normal(ks[0], (N_NODES, IN_DIM), dtype=jnp.float32)
    edge_index = jax.random.randint(ks[1], (2, N_EDGES), 0, N_NODES, dtype=jnp.int64 if jax.config.jax_enable_x64 else jnp.int32)
    # SAGEConv1: lin_l (with bias) applied to aggregated neighbors, lin_r (no bias) to root
    W1_l = jax.random.normal(ks[2], (HID, IN_DIM), dtype=jnp.float32) * (1.0 / np.sqrt(IN_DIM))
    b1_l = jnp.zeros((HID,), dtype=jnp.float32)
    W1_r = jax.random.normal(ks[3], (HID, IN_DIM), dtype=jnp.float32) * (1.0 / np.sqrt(IN_DIM))
    # SAGEConv2
    W2_l = jax.random.normal(ks[4], (HID, HID), dtype=jnp.float32) * (1.0 / np.sqrt(HID))
    b2_l = jnp.zeros((HID,), dtype=jnp.float32)
    W2_r = jax.random.normal(ks[5], (HID, HID), dtype=jnp.float32) * (1.0 / np.sqrt(HID))
    # classification head
    W_h = jax.random.normal(ks[6], (OUT, HID), dtype=jnp.float32) * (1.0 / np.sqrt(HID))
    b_h = jnp.zeros((OUT,), dtype=jnp.float32)
    return {"x": x, "edge_index": edge_index, "W1_l": W1_l, "b1_l": b1_l, "W1_r": W1_r,
            "W2_l": W2_l, "b2_l": b2_l, "W2_r": W2_r, "W_h": W_h, "b_h": b_h}


def _sage_conv(x, src, dst, W_l, b_l, W_r):
    # mean aggregation of neighbor features x[src] at dst
    msgs = jnp.take(x, src, axis=0)
    agg = jax.ops.segment_sum(msgs, dst, num_segments=N_NODES)
    deg = jax.ops.segment_sum(jnp.ones((src.shape[0],), dtype=x.dtype), dst, num_segments=N_NODES)
    mean = agg / jnp.clip(deg, 1.0, None)[:, None]
    return mean @ W_l.T + b_l + x @ W_r.T


def reference(x, edge_index, W1_l, b1_l, W1_r, W2_l, b2_l, W2_r, W_h, b_h):
    src = edge_index[0]
    dst = edge_index[1]
    h = jax.nn.relu(_sage_conv(x, src, dst, W1_l, b1_l, W1_r))
    # dropout is identity in eval mode
    h = jax.nn.relu(_sage_conv(h, src, dst, W2_l, b2_l, W2_r))
    return h @ W_h.T + b_h

if __name__ == "__main__":
    import jax
    _d = setup_inputs()
    print(jax.jit(kernel)(*tuple(_d.values())))

</pallas_src>

<mosaic_0001>
#map = affine_map<(d0, d1) -> (0, 0)>
#map1 = affine_map<(d0, d1) -> (0, 0, 0)>
module attributes {stable_mosaic.version = 14 : i64} {
  func.func @agg(%arg0: i32, %arg1: i32, %arg2: memref<10240x32xf32, #tpu.memory_space<hbm>>, %arg3: memref<32x80x128xi32, #tpu.memory_space<hbm>>, %arg4: memref<32x80x128xi32, #tpu.memory_space<hbm>>, %arg5: memref<640x32xf32, #tpu.memory_space<hbm>>, %arg6: memref<640x16xf32, #tpu.memory_space<hbm>>, %arg7: memref<128x16xf32, #tpu.memory_space<hbm>>, %arg8: memref<2x10240x32xf32, #tpu.memory_space<hbm>>, %arg9: memref<80x128xi32, #tpu.memory_space<vmem>>, %arg10: memref<80x128xi32, #tpu.memory_space<vmem>>, %arg11: memref<128x32xf32, #tpu.memory_space<vmem>>, %arg12: memref<128x32xf32, #tpu.memory_space<vmem>>, %arg13: memref<128x32xf32, #tpu.memory_space<vmem>>, %arg14: memref<128x32xf32, #tpu.memory_space<vmem>>, %arg15: memref<10240x32xf32, #tpu.memory_space<vmem_shared>>, %arg16: memref<!tpu.dma_semaphore, #tpu.memory_space<semaphore_mem>>, %arg17: memref<!tpu.dma_semaphore, #tpu.memory_space<semaphore_mem>>, %arg18: memref<!tpu.dma_semaphore, #tpu.memory_space<semaphore_mem>>, %arg19: memref<!tpu.dma_semaphore, #tpu.memory_space<semaphore_mem>>, %arg20: memref<!tpu.dma_semaphore, #tpu.memory_space<semaphore_mem>>, %arg21: memref<!tpu.dma_semaphore, #tpu.memory_space<semaphore_mem>>, %arg22: memref<!tpu.dma_semaphore, #tpu.memory_space<semaphore_mem>>, %arg23: memref<!tpu.dma_semaphore, #tpu.memory_space<semaphore_mem>>) attributes {dimension_semantics = [#tpu.dimension_semantics<core_parallel>, #tpu.dimension_semantics<subcore_parallel>], iteration_bounds = array<i64: 2, 16>, scalar_prefetch = 0 : i64, scratch_operands = 15 : i64, tpu.core_type = #tpu.core_type<sc_vector_subcore>, window_params = [{transform_indices = #map}, {transform_indices = #map1}, {transform_indices = #map1}, {transform_indices = #map}, {transform_indices = #map}, {transform_indices = #map}, {transform_indices = #map1}]} {
    %mul3A = arith.constant 16 : i32
    %mul3A_0 = arith.muli %arg0, %mul3A : i32
    %add3A = arith.addi %mul3A_0, %arg1 : i32
    %mul3A_1 = arith.constant 640 : i32
    %mul3A_2 = arith.muli %arg1, %mul3A_1 : i32
    "tpu.region"() ({
      %run_scoped3A = tpu.sem_alloc : memref<!tpu.dma_semaphore, #tpu.memory_space<semaphore_mem>>
      %dma_start3A_121 = arith.constant 0 : i32
      %dma_start3A_122 = tpu.memref_slice %arg15[%mul3A_2, %dma_start3A_121] : memref<10240x32xf32, #tpu.memory_space<vmem_shared>> -> memref<640x32xf32, #tpu.memory_space<vmem_shared>>
      tpu.enqueue_dma source(%arg5 : memref<640x32xf32, #tpu.memory_space<hbm>>) target(%dma_start3A_122 : memref<640x32xf32, #tpu.memory_space<vmem_shared>>) target_semaphore(%run_scoped3A : memref<!tpu.dma_semaphore, #tpu.memory_space<semaphore_mem>>)
      %dma_wait3A_123 = arith.constant 0 : i32
      %dma_wait3A_124 = tpu.memref_slice %arg15[%mul3A_2, %dma_wait3A_123] : memref<10240x32xf32, #tpu.memory_space<vmem_shared>> -> memref<640x32xf32, #tpu.memory_space<vmem_shared>>
      tpu.wait_dma2 semaphore(%run_scoped3A : memref<!tpu.dma_semaphore, #tpu.memory_space<semaphore_mem>>) src(%arg5 : memref<640x32xf32, #tpu.memory_space<hbm>>) dst(%dma_wait3A_124 : memref<640x32xf32, #tpu.memory_space<vmem_shared>>)
      tpu.yield
    }) : () -> ()
    "tpu.region"() ({
      %run_scoped3A = tpu.sem_alloc : memref<!tpu.dma_semaphore, #tpu.memory_space<semaphore_mem>>
      %dma_start3A_121 = arith.constant 0 : i32
      %dma_start3A_122 = arith.constant 0 : i32
      %dma_start3A_123 = tpu.memref_slice %arg3[%add3A, %dma_start3A_121, %dma_start3A_122] : memref<32x80x128xi32, #tpu.memory_space<hbm>> -> memref<1x80x128xi32, #tpu.memory_space<hbm>>
      %dma_start3A_124 = tpu.memref_squeeze %dma_start3A_123 : memref<1x80x128xi32, #tpu.memory_space<hbm>> -> memref<80x128xi32, #tpu.memory_space<hbm>>
      %dma_start3A_125 = arith.constant 0 : i32
      %dma_start3A_126 = arith.constant 0 : i32
      %dma_start3A_127 = tpu.memref_slice %arg3[%add3A, %dma_start3A_125, %dma_start3A_126] : memref<32x80x128xi32, #tpu.memory_space<hbm>> -> memref<1x80x128xi32, #tpu.memory_space<hbm>>
      %dma_start3A_128 = tpu.memref_squeeze %dma_start3A_127 : memref<1x80x128xi32, #tpu.memory_space<hbm>> -> memref<80x128xi32, #tpu.memory_space<hbm>>
      tpu.enqueue_dma source(%dma_start3A_128 : memref<80x128xi32, #tpu.memory_space<hbm>>) target(%arg9 : memref<80x128xi32, #tpu.memory_space<vmem>>) target_semaphore(%run_scoped3A : memref<!tpu.dma_semaphore, #tpu.memory_space<semaphore_mem>>)
      %dma_wait3A_129 = arith.constant 0 : i32
      %dma_wait3A_130 = arith.constant 0 : i32
      %dma_wait3A_131 = tpu.memref_slice %arg3[%add3A, %dma_wait3A_129, %dma_wait3A_130] : memref<32x80x128xi32, #tpu.memory_space<hbm>> -> memref<1x80x128xi32, #tpu.memory_space<hbm>>
      %dma_wait3A_132 = tpu.memref_squeeze %dma_wait3A_131 : memref<1x80x128xi32, #tpu.memory_space<hbm>> -> memref<80x128xi32, #tpu.memory_space<hbm>>
      %dma_wait3A_133 = arith.constant 0 : i32
      %dma_wait3A_134 = arith.constant 0 : i32
      %dma_wait3A_135 = tpu.memref_slice %arg3[%add3A, %dma_wait3A_133, %dma_wait3A_134] : memref<32x80x128xi32, #tpu.memory_space<hbm>> -> memref<1x80x128xi32, #tpu.memory_space<hbm>>
      %dma_wait3A_136 = tpu.memref_squeeze %dma_wait3A_135 : memref<1x80x128xi32, #tpu.memory_space<hbm>> -> memref<80x128xi32, #tpu.memory_space<hbm>>
      tpu.wait_dma2 semaphore(%run_scoped3A : memref<!tpu.dma_semaphore, #tpu.memory_space<semaphore_mem>>) src(%dma_wait3A_136 : memref<80x128xi32, #tpu.memory_space<hbm>>) dst(%arg9 : memref<80x128xi32, #tpu.memory_space<vmem>>)
      tpu.yield
    }) : () -> ()
    "tpu.region"() ({
      %run_scoped3A = tpu.sem_alloc : memref<!tpu.dma_semaphore, #tpu.memory_space<semaphore_mem>>
      %dma_start3A_121 = arith.constant 0 : i32
      %dma_start3A_122 = arith.constant 0 : i32
      %dma_start3A_123 = tpu.memref_slice %arg4[%add3A, %dma_start3A_121, %dma_start3A_122] : memref<32x80x128xi32, #tpu.memory_space<hbm>> -> memref<1x80x128xi32, #tpu.memory_space<hbm>>
      %dma_start3A_124 = tpu.memref_squeeze %dma_start3A_123 : memref<1x80x128xi32, #tpu.memory_space<hbm>> -> memref<80x128xi32, #tpu.memory_space<hbm>>
      %dma_start3A_125 = arith.constant 0 : i32
      %dma_start3A_126 = arith.constant 0 : i32
      %dma_start3A_127 = tpu.memref_slice %arg4[%add3A, %dma_start3A_125, %dma_start3A_126] : memref<32x80x128xi32, #tpu.memory_space<hbm>> -> memref<1x80x128xi32, #tpu.memory_space<hbm>>
      %dma_start3A_128 = tpu.memref_squeeze %dma_start3A_127 : memref<1x80x128xi32, #tpu.memory_space<hbm>> -> memref<80x128xi32, #tpu.memory_space<hbm>>
      tpu.enqueue_dma source(%dma_start3A_128 : memref<80x128xi32, #tpu.memory_space<hbm>>) target(%arg10 : memref<80x128xi32, #tpu.memory_space<vmem>>) target_semaphore(%run_scoped3A : memref<!tpu.dma_semaphore, #tpu.memory_space<semaphore_mem>>)
      %dma_wait3A_129 = arith.constant 0 : i32
      %dma_wait3A_130 = arith.constant 0 : i32
      %dma_wait3A_131 = tpu.memref_slice %arg4[%add3A, %dma_wait3A_129, %dma_wait3A_130] : memref<32x80x128xi32, #tpu.memory_space<hbm>> -> memref<1x80x128xi32, #tpu.memory_space<hbm>>
      %dma_wait3A_132 = tpu.memref_squeeze %dma_wait3A_131 : memref<1x80x128xi32, #tpu.memory_space<hbm>> -> memref<80x128xi32, #tpu.memory_space<hbm>>
      %dma_wait3A_133 = arith.constant 0 : i32
      %dma_wait3A_134 = arith.constant 0 : i32
      %dma_wait3A_135 = tpu.memref_slice %arg4[%add3A, %dma_wait3A_133, %dma_wait3A_134] : memref<32x80x128xi32, #tpu.memory_space<hbm>> -> memref<1x80x128xi32, #tpu.memory_space<hbm>>
      %dma_wait3A_136 = tpu.memref_squeeze %dma_wait3A_135 : memref<1x80x128xi32, #tpu.memory_space<hbm>> -> memref<80x128xi32, #tpu.memory_space<hbm>>
      tpu.wait_dma2 semaphore(%run_scoped3A : memref<!tpu.dma_semaphore, #tpu.memory_space<semaphore_mem>>) src(%dma_wait3A_136 : memref<80x128xi32, #tpu.memory_space<hbm>>) dst(%arg10 : memref<80x128xi32, #tpu.memory_space<vmem>>)
      tpu.yield
    }) : () -> ()
    %barrier3A = arith.constant 0 : index
    tpu.barrier barrier_id(%barrier3A)
    %dma_start3A = arith.constant 0 : i32
    %dma_start3A_3 = arith.constant 0 : i32
    %dma_start3A_4 = tpu.memref_slice %arg9[%dma_start3A, %dma_start3A_3] : memref<80x128xi32, #tpu.memory_space<vmem>> -> memref<1x128xi32, #tpu.memory_space<vmem>>
    %dma_start3A_5 = tpu.memref_squeeze %dma_start3A_4 : memref<1x128xi32, #tpu.memory_space<vmem>> -> memref<128xi32, #tpu.memory_space<vmem>>
    %dma_start3A_6 = arith.constant 0 : i32
    %dma_start3A_7 = arith.constant 0 : i32
    %dma_start3A_8 = tpu.memref_slice %arg2[%dma_start3A_6, %dma_start3A_7] : memref<10240x32xf32, #tpu.memory_space<hbm>> -> memref<10240x32xf32, #tpu.memory_space<hbm>>
    tpu.enqueue_indirect_dma source(%dma_start3A_8 : memref<10240x32xf32, #tpu.memory_space<hbm>>) target(%arg11 : memref<128x32xf32, #tpu.memory_space<vmem>>) offsets(%dma_start3A_5 : memref<128xi32, #tpu.memory_space<vmem>>) semaphore(%arg16 : memref<!tpu.dma_semaphore, #tpu.memory_space<semaphore_mem>>)
    %dma_start3A_9 = arith.constant 1 : i32
    %dma_start3A_10 = arith.constant 0 : i32
    %dma_start3A_11 = tpu.memref_slice %arg9[%dma_start3A_9, %dma_start3A_10] : memref<80x128xi32, #tpu.memory_space<vmem>> -> memref<1x128xi32, #tpu.memory_space<vmem>>
    %dma_start3A_12 = tpu.memref_squeeze %dma_start3A_11 : memref<1x128xi32, #tpu.memory_space<vmem>> -> memref<128xi32, #tpu.memory_space<vmem>>
    %dma_start3A_13 = arith.constant 0 : i32
    %dma_start3A_14 = arith.constant 0 : i32
    %dma_start3A_15 = tpu.memref_slice %arg2[%dma_start3A_13, %dma_start3A_14] : memref<10240x32xf32, #tpu.memory_space<hbm>> -> memref<10240x32xf32, #tpu.memory_space<hbm>>
    tpu.enqueue_indirect_dma source(%dma_start3A_15 : memref<10240x32xf32, #tpu.memory_space<hbm>>) target(%arg12 : memref<128x32xf32, #tpu.memory_space<vmem>>) offsets(%dma_start3A_12 : memref<128xi32, #tpu.memory_space<vmem>>) semaphore(%arg17 : memref<!tpu.dma_semaphore, #tpu.memory_space<semaphore_mem>>)
    %dma_start3A_16 = arith.constant 2 : i32
    %dma_start3A_17 = arith.constant 0 : i32
    %dma_start3A_18 = tpu.memref_slice %arg9[%dma_start3A_16, %dma_start3A_17] : memref<80x128xi32, #tpu.memory_space<vmem>> -> memref<1x128xi32, #tpu.memory_space<vmem>>
    %dma_start3A_19 = tpu.memref_squeeze %dma_start3A_18 : memref<1x128xi32, #tpu.memory_space<vmem>> -> memref<128xi32, #tpu.memory_space<vmem>>
    %dma_start3A_20 = arith.constant 0 : i32
    %dma_start3A_21 = arith.constant 0 : i32
    %dma_start3A_22 = tpu.memref_slice %arg2[%dma_start3A_20, %dma_start3A_21] : memref<10240x32xf32, #tpu.memory_space<hbm>> -> memref<10240x32xf32, #tpu.memory_space<hbm>>
    tpu.enqueue_indirect_dma source(%dma_start3A_22 : memref<10240x32xf32, #tpu.memory_space<hbm>>) target(%arg13 : memref<128x32xf32, #tpu.memory_space<vmem>>) offsets(%dma_start3A_19 : memref<128xi32, #tpu.memory_space<vmem>>) semaphore(%arg18 : memref<!tpu.dma_semaphore, #tpu.memory_space<semaphore_mem>>)
    %dma_wait3A = arith.constant 0 : i32
    %dma_wait3A_23 = arith.constant 0 : i32
    %dma_wait3A_24 = tpu.memref_slice %arg9[%dma_wait3A, %dma_wait3A_23] : memref<80x128xi32, #tpu.memory_space<vmem>> -> memref<1x128xi32, #tpu.memory_space<vmem>>
    %dma_wait3A_25 = tpu.memref_squeeze %dma_wait3A_24 : memref<1x128xi32, #tpu.memory_space<vmem>> -> memref<128xi32, #tpu.memory_space<vmem>>
    %dma_wait3A_26 = arith.constant 0 : i32
    %dma_wait3A_27 = arith.constant 0 : i32
    %dma_wait3A_28 = tpu.memref_slice %arg2[%dma_wait3A_26, %dma_wait3A_27] : memref<10240x32xf32, #tpu.memory_space<hbm>> -> memref<10240x32xf32, #tpu.memory_space<hbm>>
    tpu.wait_indirect_dma semaphore(%arg16 : memref<!tpu.dma_semaphore, #tpu.memory_space<semaphore_mem>>) src(%dma_wait3A_28 : memref<10240x32xf32, #tpu.memory_space<hbm>>) dst(%arg11 : memref<128x32xf32, #tpu.memory_space<vmem>>)
    %dma_start3A_29 = arith.constant 0 : i32
    %dma_start3A_30 = arith.constant 0 : i32
    %dma_start3A_31 = tpu.memref_slice %arg10[%dma_start3A_29, %dma_start3A_30] : memref<80x128xi32, #tpu.memory_space<vmem>> -> memref<1x128xi32, #tpu.memory_space<vmem>>
    %dma_start3A_32 = tpu.memref_squeeze %dma_start3A_31 : memref<1x128xi32, #tpu.memory_space<vmem>> -> memref<128xi32, #tpu.memory_space<vmem>>
    %dma_start3A_33 = arith.constant 0 : i32
    %dma_start3A_34 = arith.constant 0 : i32
    %dma_start3A_35 = tpu.memref_slice %arg15[%dma_start3A_33, %dma_start3A_34] : memref<10240x32xf32, #tpu.memory_space<vmem_shared>> -> memref<10240x32xf32, #tpu.memory_space<vmem_shared>>
    tpu.enqueue_indirect_dma source(%arg11 : memref<128x32xf32, #tpu.memory_space<vmem>>) target(%dma_start3A_35 : memref<10240x32xf32, #tpu.memory_space<vmem_shared>>) offsets(%dma_start3A_32 : memref<128xi32, #tpu.memory_space<vmem>>) semaphore(%arg20 : memref<!tpu.dma_semaphore, #tpu.memory_space<semaphore_mem>>) {add = true}
    %dma_start3A_36 = arith.constant 3 : i32
    %dma_start3A_37 = arith.constant 0 : i32
    %dma_start3A_38 = tpu.memref_slice %arg9[%dma_start3A_36, %dma_start3A_37] : memref<80x128xi32, #tpu.memory_space<vmem>> -> memref<1x128xi32, #tpu.memory_space<vmem>>
    %dma_start3A_39 = tpu.memref_squeeze %dma_start3A_38 : memref<1x128xi32, #tpu.memory_space<vmem>> -> memref<128xi32, #tpu.memory_space<vmem>>
    %dma_start3A_40 = arith.constant 0 : i32
    %dma_start3A_41 = arith.constant 0 : i32
    %dma_start3A_42 = tpu.memref_slice %arg2[%dma_start3A_40, %dma_start3A_41] : memref<10240x32xf32, #tpu.memory_space<hbm>> -> memref<10240x32xf32, #tpu.memory_space<hbm>>
    tpu.enqueue_indirect_dma source(%dma_start3A_42 : memref<10240x32xf32, #tpu.memory_space<hbm>>) target(%arg14 : memref<128x32xf32, #tpu.memory_space<vmem>>) offsets(%dma_start3A_39 : memref<128xi32, #tpu.memory_space<vmem>>) semaphore(%arg19 : memref<!tpu.dma_semaphore, #tpu.memory_space<semaphore_mem>>)
    %dma_wait3A_43 = arith.constant 1 : i32
    %dma_wait3A_44 = arith.constant 0 : i32
    %dma_wait3A_45 = tpu.memref_slice %arg9[%dma_wait3A_43, %dma_wait3A_44] : memref<80x128xi32, #tpu.memory_space<vmem>> -> memref<1x128xi32, #tpu.memory_space<vmem>>
    %dma_wait3A_46 = tpu.memref_squeeze %dma_wait3A_45 : memref<1x128xi32, #tpu.memory_space<vmem>> -> memref<128xi32, #tpu.memory_space<vmem>>
    %dma_wait3A_47 = arith.constant 0 : i32
    %dma_wait3A_48 = arith.constant 0 : i32
    %dma_wait3A_49 = tpu.memref_slice %arg2[%dma_wait3A_47, %dma_wait3A_48] : memref<10240x32xf32, #tpu.memory_space<hbm>> -> memref<10240x32xf32, #tpu.memory_space<hbm>>
    tpu.wait_indirect_dma semaphore(%arg17 : memref<!tpu.dma_semaphore, #tpu.memory_space<semaphore_mem>>) src(%dma_wait3A_49 : memref<10240x32xf32, #tpu.memory_space<hbm>>) dst(%arg12 : memref<128x32xf32, #tpu.memory_space<vmem>>)
    %dma_start3A_50 = arith.constant 1 : i32
    %dma_start3A_51 = arith.constant 0 : i32
    %dma_start3A_52 = tpu.memref_slice %arg10[%dma_start3A_50, %dma_start3A_51] : memref<80x128xi32, #tpu.memory_space<vmem>> -> memref<1x128xi32, #tpu.memory_space<vmem>>
    %dma_start3A_53 = tpu.memref_squeeze %dma_start3A_52 : memref<1x128xi32, #tpu.memory_space<vmem>> -> memref<128xi32, #tpu.memory_space<vmem>>
    %dma_start3A_54 = arith.constant 0 : i32
    %dma_start3A_55 = arith.constant 0 : i32
    %dma_start3A_56 = tpu.memref_slice %arg15[%dma_start3A_54, %dma_start3A_55] : memref<10240x32xf32, #tpu.memory_space<vmem_shared>> -> memref<10240x32xf32, #tpu.memory_space<vmem_shared>>
    tpu.enqueue_indirect_dma source(%arg12 : memref<128x32xf32, #tpu.memory_space<vmem>>) target(%dma_start3A_56 : memref<10240x32xf32, #tpu.memory_space<vmem_shared>>) offsets(%dma_start3A_53 : memref<128xi32, #tpu.memory_space<vmem>>) semaphore(%arg21 : memref<!tpu.dma_semaphore, #tpu.memory_space<semaphore_mem>>) {add = true}
    %scan3A = arith.constant 0 : i32
    %scan3A_57 = arith.constant 0 : i32
    %scan3A_58 = arith.constant 19 : i32
    %scan3A_59 = arith.addi %scan3A_57, %scan3A_58 : i32
    %scan3A_60 = arith.constant 1 : i32
    scf.for %scan3A_121 = %scan3A_57 to %scan3A_59 step %scan3A_60  : i32 {
      %mul3A_122 = arith.constant 4 : i32
      %mul3A_123 = arith.muli %scan3A_121, %mul3A_122 : i32
      %add3A_124 = arith.constant 4 : i32
      %add3A_125 = arith.addi %add3A_124, %mul3A_123 : i32
      %add3A_126 = arith.constant 0 : i32
      %add3A_127 = arith.addi %add3A_125, %add3A_126 : i32
      %dma_wait3A_128 = arith.constant 0 : i32
      %dma_wait3A_129 = arith.constant 0 : i32
      %dma_wait3A_130 = tpu.memref_slice %arg10[%dma_wait3A_128, %dma_wait3A_129] : memref<80x128xi32, #tpu.memory_space<vmem>> -> memref<1x128xi32, #tpu.memory_space<vmem>>
      %dma_wait3A_131 = tpu.memref_squeeze %dma_wait3A_130 : memref<1x128xi32, #tpu.memory_space<vmem>> -> memref<128xi32, #tpu.memory_space<vmem>>
      %dma_wait3A_132 = arith.constant 0 : i32
      %dma_wait3A_133 = arith.constant 0 : i32
      %dma_wait3A_134 = tpu.memref_slice %arg15[%dma_wait3A_132, %dma_wait3A_133] : memref<10240x32xf32, #tpu.memory_space<vmem_shared>> -> memref<10240x32xf32, #tpu.memory_space<vmem_shared>>
      tpu.wait_indirect_dma semaphore(%arg20 : memref<!tpu.dma_semaphore, #tpu.memory_space<semaphore_mem>>) src(%arg11 : memref<128x32xf32, #tpu.memory_space<vmem>>) dst(%dma_wait3A_134 : memref<10240x32xf32, #tpu.memory_space<vmem_shared>>)
      %dma_start3A_135 = arith.constant 0 : i32
      %dma_start3A_136 = tpu.memref_slice %arg9[%add3A_127, %dma_start3A_135] : memref<80x128xi32, #tpu.memory_space<vmem>> -> memref<1x128xi32, #tpu.memory_space<vmem>>
      %dma_start3A_137 = tpu.memref_squeeze %dma_start3A_136 : memref<1x128xi32, #tpu.memory_space<vmem>> -> memref<128xi32, #tpu.memory_space<vmem>>
      %dma_start3A_138 = arith.constant 0 : i32
      %dma_start3A_139 = arith.constant 0 : i32
      %dma_start3A_140 = tpu.memref_slice %arg2[%dma_start3A_138, %dma_start3A_139] : memref<10240x32xf32, #tpu.memory_space<hbm>> -> memref<10240x32xf32, #tpu.memory_space<hbm>>
      tpu.enqueue_indirect_dma source(%dma_start3A_140 : memref<10240x32xf32, #tpu.memory_space<hbm>>) target(%arg11 : memref<128x32xf32, #tpu.memory_space<vmem>>) offsets(%dma_start3A_137 : memref<128xi32, #tpu.memory_space<vmem>>) semaphore(%arg16 : memref<!tpu.dma_semaphore, #tpu.memory_space<semaphore_mem>>)
      %sub3A = arith.constant 2 : i32
      %sub3A_141 = arith.subi %add3A_127, %sub3A : i32
      %dma_wait3A_142 = arith.constant 0 : i32
      %dma_wait3A_143 = tpu.memref_slice %arg9[%sub3A_141, %dma_wait3A_142] : memref<80x128xi32, #tpu.memory_space<vmem>> -> memref<1x128xi32, #tpu.memory_space<vmem>>
      %dma_wait3A_144 = tpu.memref_squeeze %dma_wait3A_143 : memref<1x128xi32, #tpu.memory_space<vmem>> -> memref<128xi32, #tpu.memory_space<vmem>>
      %dma_wait3A_145 = arith.constant 0 : i32
      %dma_wait3A_146 = arith.constant 0 : i32
      %dma_wait3A_147 = tpu.memref_slice %arg2[%dma_wait3A_145, %dma_wait3A_146] : memref<10240x32xf32, #tpu.memory_space<hbm>> -> memref<10240x32xf32, #tpu.memory_space<hbm>>
      tpu.wait_indirect_dma semaphore(%arg18 : memref<!tpu.dma_semaphore, #tpu.memory_space<semaphore_mem>>) src(%dma_wait3A_147 : memref<10240x32xf32, #tpu.memory_space<hbm>>) dst(%arg13 : memref<128x32xf32, #tpu.memory_space<vmem>>)
      %dma_start3A_148 = arith.constant 0 : i32
      %dma_start3A_149 = tpu.memref_slice %arg10[%sub3A_141, %dma_start3A_148] : memref<80x128xi32, #tpu.memory_space<vmem>> -> memref<1x128xi32, #tpu.memory_space<vmem>>
      %dma_start3A_150 = tpu.memref_squeeze %dma_start3A_149 : memref<1x128xi32, #tpu.memory_space<vmem>> -> memref<128xi32, #tpu.memory_space<vmem>>
      %dma_start3A_151 = arith.constant 0 : i32
      %dma_start3A_152 = arith.constant 0 : i32
      %dma_start3A_153 = tpu.memref_slice %arg15[%dma_start3A_151, %dma_start3A_152] : memref<10240x32xf32, #tpu.memory_space<vmem_shared>> -> memref<10240x32xf32, #tpu.memory_space<vmem_shared>>
      tpu.enqueue_indirect_dma source(%arg13 : memref<128x32xf32, #tpu.memory_space<vmem>>) target(%dma_start3A_153 : memref<10240x32xf32, #tpu.memory_space<vmem_shared>>) offsets(%dma_start3A_150 : memref<128xi32, #tpu.memory_space<vmem>>) semaphore(%arg22 : memref<!tpu.dma_semaphore, #tpu.memory_space<semaphore_mem>>) {add = true}
      %mul3A_154 = arith.constant 4 : i32
      %mul3A_155 = arith.muli %scan3A_121, %mul3A_154 : i32
      %add3A_156 = arith.constant 4 : i32
      %add3A_157 = arith.addi %add3A_156, %mul3A_155 : i32
      %add3A_158 = arith.constant 1 : i32
      %add3A_159 = arith.addi %add3A_157, %add3A_158 : i32
      %dma_wait3A_160 = arith.constant 0 : i32
      %dma_wait3A_161 = arith.constant 0 : i32
      %dma_wait3A_162 = tpu.memref_slice %arg10[%dma_wait3A_160, %dma_wait3A_161] : memref<80x128xi32, #tpu.memory_space<vmem>> -> memref<1x128xi32, #tpu.memory_space<vmem>>
      %dma_wait3A_163 = tpu.memref_squeeze %dma_wait3A_162 : memref<1x128xi32, #tpu.memory_space<vmem>> -> memref<128xi32, #tpu.memory_space<vmem>>
      %dma_wait3A_164 = arith.constant 0 : i32
      %dma_wait3A_165 = arith.constant 0 : i32
      %dma_wait3A_166 = tpu.memref_slice %arg15[%dma_wait3A_164, %dma_wait3A_165] : memref<10240x32xf32, #tpu.memory_space<vmem_shared>> -> memref<10240x32xf32, #tpu.memory_space<vmem_shared>>
      tpu.wait_indirect_dma semaphore(%arg21 : memref<!tpu.dma_semaphore, #tpu.memory_space<semaphore_mem>>) src(%arg12 : memref<128x32xf32, #tpu.memory_space<vmem>>) dst(%dma_wait3A_166 : memref<10240x32xf32, #tpu.memory_space<vmem_shared>>)
      %dma_start3A_167 = arith.constant 0 : i32
      %dma_start3A_168 = tpu.memref_slice %arg9[%add3A_159, %dma_start3A_167] : memref<80x128xi32, #tpu.memory_space<vmem>> -> memref<1x128xi32, #tpu.memory_space<vmem>>
      %dma_start3A_169 = tpu.memref_squeeze %dma_start3A_168 : memref<1x128xi32, #tpu.memory_space<vmem>> -> memref<128xi32, #tpu.memory_space<vmem>>
      %dma_start3A_170 = arith.constant 0 : i32
      %dma_start3A_171 = arith.constant 0 : i32
      %dma_start3A_172 = tpu.memref_slice %arg2[%dma_start3A_170, %dma_start3A_171] : memref<10240x32xf32, #tpu.memory_space<hbm>> -> memref<10240x32xf32, #tpu.memory_space<hbm>>
      tpu.enqueue_indirect_dma source(%dma_start3A_172 : memref<10240x32xf32, #tpu.memory_space<hbm>>) target(%arg12 : memref<128x32xf32, #tpu.memory_space<vmem>>) offsets(%dma_start3A_169 : memref<128xi32, #tpu.memory_space<vmem>>) semaphore(%arg17 : memref<!tpu.dma_semaphore, #tpu.memory_space<semaphore_mem>>)
      %sub3A_173 = arith.constant 2 : i32
      %sub3A_174 = arith.subi %add3A_159, %sub3A_173 : i32
      %dma_wait3A_175 = arith.constant 0 : i32
      %dma_wait3A_176 = tpu.memref_slice %arg9[%sub3A_174, %dma_wait3A_175] : memref<80x128xi32, #tpu.memory_space<vmem>> -> memref<1x128xi32, #tpu.memory_space<vmem>>
      %dma_wait3A_177 = tpu.memref_squeeze %dma_wait3A_176 : memref<1x128xi32, #tpu.memory_space<vmem>> -> memref<128xi32, #tpu.memory_space<vmem>>
      %dma_wait3A_178 = arith.constant 0 : i32
      %dma_wait3A_179 = arith.constant 0 : i32
      %dma_wait3A_180 = tpu.memref_slice %arg2[%dma_wait3A_178, %dma_wait3A_179] : memref<10240x32xf32, #tpu.memory_space<hbm>> -> memref<10240x32xf32, #tpu.memory_space<hbm>>
      tpu.wait_indirect_dma semaphore(%arg19 : memref<!tpu.dma_semaphore, #tpu.memory_space<semaphore_mem>>) src(%dma_wait3A_180 : memref<10240x32xf32, #tpu.memory_space<hbm>>) dst(%arg14 : memref<128x32xf32, #tpu.memory_space<vmem>>)
      %dma_start3A_181 = arith.constant 0 : i32
      %dma_start3A_182 = tpu.memref_slice %arg10[%sub3A_174, %dma_start3A_181] : memref<80x128xi32, #tpu.memory_space<vmem>> -> memref<1x128xi32, #tpu.memory_space<vmem>>
      %dma_start3A_183 = tpu.memref_squeeze %dma_start3A_182 : memref<1x128xi32, #tpu.memory_space<vmem>> -> memref<128xi32, #tpu.memory_space<vmem>>
      %dma_start3A_184 = arith.constant 0 : i32
      %dma_start3A_185 = arith.constant 0 : i32
      %dma_start3A_186 = tpu.memref_slice %arg15[%dma_start3A_184, %dma_start3A_185] : memref<10240x32xf32, #tpu.memory_space<vmem_shared>> -> memref<10240x32xf32, #tpu.memory_space<vmem_shared>>
      tpu.enqueue_indirect_dma source(%arg14 : memref<128x32xf32, #tpu.memory_space<vmem>>) target(%dma_start3A_186 : memref<10240x32xf32, #tpu.memory_space<vmem_shared>>) offsets(%dma_start3A_183 : memref<128xi32, #tpu.memory_space<vmem>>) semaphore(%arg23 : memref<!tpu.dma_semaphore, #tpu.memory_space<semaphore_mem>>) {add = true}
      %mul3A_187 = arith.constant 4 : i32
      %mul3A_188 = arith.muli %scan3A_121, %mul3A_187 : i32
      %add3A_189 = arith.constant 4 : i32
      %add3A_190 = arith.addi %add3A_189, %mul3A_188 : i32
      %add3A_191 = arith.constant 2 : i32
      %add3A_192 = arith.addi %add3A_190, %add3A_191 : i32
      %dma_wait3A_193 = arith.constant 0 : i32
      %dma_wait3A_194 = arith.constant 0 : i32
      %dma_wait3A_195 = tpu.memref_slice %arg10[%dma_wait3A_193, %dma_wait3A_194] : memref<80x128xi32, #tpu.memory_space<vmem>> -> memref<1x128xi32, #tpu.memory_space<vmem>>
      %dma_wait3A_196 = tpu.memref_squeeze %dma_wait3A_195 : memref<1x128xi32, #tpu.memory_space<vmem>> -> memref<128xi32, #tpu.memory_space<vmem>>
      %dma_wait3A_197 = arith.constant 0 : i32
      %dma_wait3A_198 = arith.constant 0 : i32
      %dma_wait3A_199 = tpu.memref_slice %arg15[%dma_wait3A_197, %dma_wait3A_198] : memref<10240x32xf32, #tpu.memory_space<vmem_shared>> -> memref<10240x32xf32, #tpu.memory_space<vmem_shared>>
      tpu.wait_indirect_dma semaphore(%arg22 : memref<!tpu.dma_semaphore, #tpu.memory_space<semaphore_mem>>) src(%arg13 : memref<128x32xf32, #tpu.memory_space<vmem>>) dst(%dma_wait3A_199 : memref<10240x32xf32, #tpu.memory_space<vmem_shared>>)
      %dma_start3A_200 = arith.constant 0 : i32
      %dma_start3A_201 = tpu.memref_slice %arg9[%add3A_192, %dma_start3A_200] : memref<80x128xi32, #tpu.memory_space<vmem>> -> memref<1x128xi32, #tpu.memory_space<vmem>>
      %dma_start3A_202 = tpu.memref_squeeze %dma_start3A_201 : memref<1x128xi32, #tpu.memory_space<vmem>> -> memref<128xi32, #tpu.memory_space<vmem>>
      %dma_start3A_203 = arith.constant 0 : i32
      %dma_start3A_204 = arith.constant 0 : i32
      %dma_start3A_205 = tpu.memref_slice %arg2[%dma_start3A_203, %dma_start3A_204] : memref<10240x32xf32, #tpu.memory_space<hbm>> -> memref<10240x32xf32, #tpu.memory_space<hbm>>
      tpu.enqueue_indirect_dma source(%dma_start3A_205 : memref<10240x32xf32, #tpu.memory_space<hbm>>) target(%arg13 : memref<128x32xf32, #tpu.memory_space<vmem>>) offsets(%dma_start3A_202 : memref<128xi32, #tpu.memory_space<vmem>>) semaphore(%arg18 : memref<!tpu.dma_semaphore, #tpu.memory_space<semaphore_mem>>)
      %sub3A_206 = arith.constant 2 : i32
      %sub3A_207 = arith.subi %add3A_192, %sub3A_206 : i32
      %dma_wait3A_208 = arith.constant 0 : i32
      %dma_wait3A_209 = tpu.memref_slice %arg9[%sub3A_207, %dma_wait3A_208] : memref<80x128xi32, #tpu.memory_space<vmem>> -> memref<1x128xi32, #tpu.memory_space<vmem>>
      %dma_wait3A_210 = tpu.memref_squeeze %dma_wait3A_209 : memref<1x128xi32, #tpu.memory_space<vmem>> -> memref<128xi32, #tpu.memory_space<vmem>>
      %dma_wait3A_211 = arith.constant 0 : i32
      %dma_wait3A_212 = arith.constant 0 : i32
      %dma_wait3A_213 = tpu.memref_slice %arg2[%dma_wait3A_211, %dma_wait3A_212] : memref<10240x32xf32, #tpu.memory_space<hbm>> -> memref<10240x32xf32, #tpu.memory_space<hbm>>
      tpu.wait_indirect_dma semaphore(%arg16 : memref<!tpu.dma_semaphore, #tpu.memory_space<semaphore_mem>>) src(%dma_wait3A_213 : memref<10240x32xf32, #tpu.memory_space<hbm>>) dst(%arg11 : memref<128x32xf32, #tpu.memory_space<vmem>>)
      %dma_start3A_214 = arith.constant 0 : i32
      %dma_start3A_215 = tpu.memref_slice %arg10[%sub3A_207, %dma_start3A_214] : memref<80x128xi32, #tpu.memory_space<vmem>> -> memref<1x128xi32, #tpu.memory_space<vmem>>
      %dma_start3A_216 = tpu.memref_squeeze %dma_start3A_215 : memref<1x128xi32, #tpu.memory_space<vmem>> -> memref<128xi32, #tpu.memory_space<vmem>>
      %dma_start3A_217 = arith.constant 0 : i32
      %dma_start3A_218 = arith.constant 0 : i32
      %dma_start3A_219 = tpu.memref_slice %arg15[%dma_start3A_217, %dma_start3A_218] : memref<10240x32xf32, #tpu.memory_space<vmem_shared>> -> memref<10240x32xf32, #tpu.memory_space<vmem_shared>>
      tpu.enqueue_indirect_dma source(%arg11 : memref<128x32xf32, #tpu.memory_space<vmem>>) target(%dma_start3A_219 : memref<10240x32xf32, #tpu.memory_space<vmem_shared>>) offsets(%dma_start3A_216 : memref<128xi32, #tpu.memory_space<vmem>>) semaphore(%arg20 : memref<!tpu.dma_semaphore, #tpu.memory_space<semaphore_mem>>) {add = true}
      %mul3A_220 = arith.constant 4 : i32
      %mul3A_221 = arith.muli %scan3A_121, %mul3A_220 : i32
      %add3A_222 = arith.constant 4 : i32
      %add3A_223 = arith.addi %add3A_222, %mul3A_221 : i32
      %add3A_224 = arith.constant 3 : i32
      %add3A_225 = arith.addi %add3A_223, %add3A_224 : i32
      %dma_wait3A_226 = arith.constant 0 : i32
      %dma_wait3A_227 = arith.constant 0 : i32
      %dma_wait3A_228 = tpu.memref_slice %arg10[%dma_wait3A_226, %dma_wait3A_227] : memref<80x128xi32, #tpu.memory_space<vmem>> -> memref<1x128xi32, #tpu.memory_space<vmem>>
      %dma_wait3A_229 = tpu.memref_squeeze %dma_wait3A_228 : memref<1x128xi32, #tpu.memory_space<vmem>> -> memref<128xi32, #tpu.memory_space<vmem>>
      %dma_wait3A_230 = arith.constant 0 : i32
      %dma_wait3A_231 = arith.constant 0 : i32
      %dma_wait3A_232 = tpu.memref_slice %arg15[%dma_wait3A_230, %dma_wait3A_231] : memref<10240x32xf32, #tpu.memory_space<vmem_shared>> -> memref<10240x32xf32, #tpu.memory_space<vmem_shared>>
      tpu.wait_indirect_dma semaphore(%arg23 : memref<!tpu.dma_semaphore, #tpu.memory_space<semaphore_mem>>) src(%arg14 : memref<128x32xf32, #tpu.memory_space<vmem>>) dst(%dma_wait3A_232 : memref<10240x32xf32, #tpu.memory_space<vmem_shared>>)
      %dma_start3A_233 = arith.constant 0 : i32
      %dma_start3A_234 = tpu.memref_slice %arg9[%add3A_225, %dma_start3A_233] : memref<80x128xi32, #tpu.memory_space<vmem>> -> memref<1x128xi32, #tpu.memory_space<vmem>>
      %dma_start3A_235 = tpu.memref_squeeze %dma_start3A_234 : memref<1x128xi32, #tpu.memory_space<vmem>> -> memref<128xi32, #tpu.memory_space<vmem>>
      %dma_start3A_236 = arith.constant 0 : i32
      %dma_start3A_237 = arith.constant 0 : i32
      %dma_start3A_238 = tpu.memref_slice %arg2[%dma_start3A_236, %dma_start3A_237] : memref<10240x32xf32, #tpu.memory_space<hbm>> -> memref<10240x32xf32, #tpu.memory_space<hbm>>
      tpu.enqueue_indirect_dma source(%dma_start3A_238 : memref<10240x32xf32, #tpu.memory_space<hbm>>) target(%arg14 : memref<128x32xf32, #tpu.memory_space<vmem>>) offsets(%dma_start3A_235 : memref<128xi32, #tpu.memory_space<vmem>>) semaphore(%arg19 : memref<!tpu.dma_semaphore, #tpu.memory_space<semaphore_mem>>)
      %sub3A_239 = arith.constant 2 : i32
      %sub3A_240 = arith.subi %add3A_225, %sub3A_239 : i32
      %dma_wait3A_241 = arith.constant 0 : i32
      %dma_wait3A_242 = tpu.memref_slice %arg9[%sub3A_240, %dma_wait3A_241] : memref<80x128xi32, #tpu.memory_space<vmem>> -> memref<1x128xi32, #tpu.memory_space<vmem>>
      %dma_wait3A_243 = tpu.memref_squeeze %dma_wait3A_242 : memref<1x128xi32, #tpu.memory_space<vmem>> -> memref<128xi32, #tpu.memory_space<vmem>>
      %dma_wait3A_244 = arith.constant 0 : i32
      %dma_wait3A_245 = arith.constant 0 : i32
      %dma_wait3A_246 = tpu.memref_slice %arg2[%dma_wait3A_244, %dma_wait3A_245] : memref<10240x32xf32, #tpu.memory_space<hbm>> -> memref<10240x32xf32, #tpu.memory_space<hbm>>
      tpu.wait_indirect_dma semaphore(%arg17 : memref<!tpu.dma_semaphore, #tpu.memory_space<semaphore_mem>>) src(%dma_wait3A_246 : memref<10240x32xf32, #tpu.memory_space<hbm>>) dst(%arg12 : memref<128x32xf32, #tpu.memory_space<vmem>>)
      %dma_start3A_247 = arith.constant 0 : i32
      %dma_start3A_248 = tpu.memref_slice %arg10[%sub3A_240, %dma_start3A_247] : memref<80x128xi32, #tpu.memory_space<vmem>> -> memref<1x128xi32, #tpu.memory_space<vmem>>
      %dma_start3A_249 = tpu.memref_squeeze %dma_start3A_248 : memref<1x128xi32, #tpu.memory_space<vmem>> -> memref<128xi32, #tpu.memory_space<vmem>>
      %dma_start3A_250 = arith.constant 0 : i32
      %dma_start3A_251 = arith.constant 0 : i32
      %dma_start3A_252 = tpu.memref_slice %arg15[%dma_start3A_250, %dma_start3A_251] : memref<10240x32xf32, #tpu.memory_space<vmem_shared>> -> memref<10240x32xf32, #tpu.memory_space<vmem_shared>>
      tpu.enqueue_indirect_dma source(%arg12 : memref<128x32xf32, #tpu.memory_space<vmem>>) target(%dma_start3A_252 : memref<10240x32xf32, #tpu.memory_space<vmem_shared>>) offsets(%dma_start3A_249 : memref<128xi32, #tpu.memory_space<vmem>>) semaphore(%arg21 : memref<!tpu.dma_semaphore, #tpu.memory_space<semaphore_mem>>) {add = true}
    }
    %scan3A_61 = arith.constant 19 : i32
    %dma_wait3A_62 = arith.constant 78 : i32
    %dma_wait3A_63 = arith.constant 0 : i32
    %dma_wait3A_64 = tpu.memref_slice %arg9[%dma_wait3A_62, %dma_wait3A_63] : memref<80x128xi32, #tpu.memory_space<vmem>> -> memref<1x128xi32, #tpu.memory_space<vmem>>
    %dma_wait3A_65 = tpu.memref_squeeze %dma_wait3A_64 : memref<1x128xi32, #tpu.memory_space<vmem>> -> memref<128xi32, #tpu.memory_space<vmem>>
    %dma_wait3A_66 = arith.constant 0 : i32
    %dma_wait3A_67 = arith.constant 0 : i32
    %dma_wait3A_68 = tpu.memref_slice %arg2[%dma_wait3A_66, %dma_wait3A_67] : memref<10240x32xf32, #tpu.memory_space<hbm>> -> memref<10240x32xf32, #tpu.memory_space<hbm>>
    tpu.wait_indirect_dma semaphore(%arg18 : memref<!tpu.dma_semaphore, #tpu.memory_space<semaphore_mem>>) src(%dma_wait3A_68 : memref<10240x32xf32, #tpu.memory_space<hbm>>) dst(%arg13 : memref<128x32xf32, #tpu.memory_space<vmem>>)
    %dma_start3A_69 = arith.constant 78 : i32
    %dma_start3A_70 = arith.constant 0 : i32
    %dma_start3A_71 = tpu.memref_slice %arg10[%dma_start3A_69, %dma_start3A_70] : memref<80x128xi32, #tpu.memory_space<vmem>> -> memref<1x128xi32, #tpu.memory_space<vmem>>
    %dma_start3A_72 = tpu.memref_squeeze %dma_start3A_71 : memref<1x128xi32, #tpu.memory_space<vmem>> -> memref<128xi32, #tpu.memory_space<vmem>>
    %dma_start3A_73 = arith.constant 0 : i32
    %dma_start3A_74 = arith.constant 0 : i32
    %dma_start3A_75 = tpu.memref_slice %arg15[%dma_start3A_73, %dma_start3A_74] : memref<10240x32xf32, #tpu.memory_space<vmem_shared>> -> memref<10240x32xf32, #tpu.memory_space<vmem_shared>>
    tpu.enqueue_indirect_dma source(%arg13 : memref<128x32xf32, #tpu.memory_space<vmem>>) target(%dma_start3A_75 : memref<10240x32xf32, #tpu.memory_space<vmem_shared>>) offsets(%dma_start3A_72 : memref<128xi32, #tpu.memory_space<vmem>>) semaphore(%arg22 : memref<!tpu.dma_semaphore, #tpu.memory_space<semaphore_mem>>) {add = true}
    %dma_wait3A_76 = arith.constant 79 : i32
    %dma_wait3A_77 = arith.constant 0 : i32
    %dma_wait3A_78 = tpu.memref_slice %arg9[%dma_wait3A_76, %dma_wait3A_77] : memref<80x128xi32, #tpu.memory_space<vmem>> -> memref<1x128xi32, #tpu.memory_space<vmem>>
    %dma_wait3A_79 = tpu.memref_squeeze %dma_wait3A_78 : memref<1x128xi32, #tpu.memory_space<vmem>> -> memref<128xi32, #tpu.memory_space<vmem>>
    %dma_wait3A_80 = arith.constant 0 : i32
    %dma_wait3A_81 = arith.constant 0 : i32
    %dma_wait3A_82 = tpu.memref_slice %arg2[%dma_wait3A_80, %dma_wait3A_81] : memref<10240x32xf32, #tpu.memory_space<hbm>> -> memref<10240x32xf32, #tpu.memory_space<hbm>>
    tpu.wait_indirect_dma semaphore(%arg19 : memref<!tpu.dma_semaphore, #tpu.memory_space<semaphore_mem>>) src(%dma_wait3A_82 : memref<10240x32xf32, #tpu.memory_space<hbm>>) dst(%arg14 : memref<128x32xf32, #tpu.memory_space<vmem>>)
    %dma_start3A_83 = arith.constant 79 : i32
    %dma_start3A_84 = arith.constant 0 : i32
    %dma_start3A_85 = tpu.memref_slice %arg10[%dma_start3A_83, %dma_start3A_84] : memref<80x128xi32, #tpu.memory_space<vmem>> -> memref<1x128xi32, #tpu.memory_space<vmem>>
    %dma_start3A_86 = tpu.memref_squeeze %dma_start3A_85 : memref<1x128xi32, #tpu.memory_space<vmem>> -> memref<128xi32, #tpu.memory_space<vmem>>
    %dma_start3A_87 = arith.constant 0 : i32
    %dma_start3A_88 = arith.constant 0 : i32
    %dma_start3A_89 = tpu.memref_slice %arg15[%dma_start3A_87, %dma_start3A_88] : memref<10240x32xf32, #tpu.memory_space<vmem_shared>> -> memref<10240x32xf32, #tpu.memory_space<vmem_shared>>
    tpu.enqueue_indirect_dma source(%arg14 : memref<128x32xf32, #tpu.memory_space<vmem>>) target(%dma_start3A_89 : memref<10240x32xf32, #tpu.memory_space<vmem_shared>>) offsets(%dma_start3A_86 : memref<128xi32, #tpu.memory_space<vmem>>) semaphore(%arg23 : memref<!tpu.dma_semaphore, #tpu.memory_space<semaphore_mem>>) {add = true}
    %dma_wait3A_90 = arith.constant 0 : i32
    %dma_wait3A_91 = arith.constant 0 : i32
    %dma_wait3A_92 = tpu.memref_slice %arg10[%dma_wait3A_90, %dma_wait3A_91] : memref<80x128xi32, #tpu.memory_space<vmem>> -> memref<1x128xi32, #tpu.memory_space<vmem>>
    %dma_wait3A_93 = tpu.memref_squeeze %dma_wait3A_92 : memref<1x128xi32, #tpu.memory_space<vmem>> -> memref<128xi32, #tpu.memory_space<vmem>>
    %dma_wait3A_94 = arith.constant 0 : i32
    %dma_wait3A_95 = arith.constant 0 : i32
    %dma_wait3A_96 = tpu.memref_slice %arg15[%dma_wait3A_94, %dma_wait3A_95] : memref<10240x32xf32, #tpu.memory_space<vmem_shared>> -> memref<10240x32xf32, #tpu.memory_space<vmem_shared>>
    tpu.wait_indirect_dma semaphore(%arg20 : memref<!tpu.dma_semaphore, #tpu.memory_space<semaphore_mem>>) src(%arg11 : memref<128x32xf32, #tpu.memory_space<vmem>>) dst(%dma_wait3A_96 : memref<10240x32xf32, #tpu.memory_space<vmem_shared>>)
    %dma_wait3A_97 = arith.constant 0 : i32
    %dma_wait3A_98 = arith.constant 0 : i32
    %dma_wait3A_99 = tpu.memref_slice %arg10[%dma_wait3A_97, %dma_wait3A_98] : memref<80x128xi32, #tpu.memory_space<vmem>> -> memref<1x128xi32, #tpu.memory_space<vmem>>
    %dma_wait3A_100 = tpu.memref_squeeze %dma_wait3A_99 : memref<1x128xi32, #tpu.memory_space<vmem>> -> memref<128xi32, #tpu.memory_space<vmem>>
    %dma_wait3A_101 = arith.constant 0 : i32
    %dma_wait3A_102 = arith.constant 0 : i32
    %dma_wait3A_103 = tpu.memref_slice %arg15[%dma_wait3A_101, %dma_wait3A_102] : memref<10240x32xf32, #tpu.memory_space<vmem_shared>> -> memref<10240x32xf32, #tpu.memory_space<vmem_shared>>
    tpu.wait_indirect_dma semaphore(%arg21 : memref<!tpu.dma_semaphore, #tpu.memory_space<semaphore_mem>>) src(%arg12 : memref<128x32xf32, #tpu.memory_space<vmem>>) dst(%dma_wait3A_103 : memref<10240x32xf32, #tpu.memory_space<vmem_shared>>)
    %dma_wait3A_104 = arith.constant 0 : i32
    %dma_wait3A_105 = arith.constant 0 : i32
    %dma_wait3A_106 = tpu.memref_slice %arg10[%dma_wait3A_104, %dma_wait3A_105] : memref<80x128xi32, #tpu.memory_space<vmem>> -> memref<1x128xi32, #tpu.memory_space<vmem>>
    %dma_wait3A_107 = tpu.memref_squeeze %dma_wait3A_106 : memref<1x128xi32, #tpu.memory_space<vmem>> -> memref<128xi32, #tpu.memory_space<vmem>>
    %dma_wait3A_108 = arith.constant 0 : i32
    %dma_wait3A_109 = arith.constant 0 : i32
    %dma_wait3A_110 = tpu.memref_slice %arg15[%dma_wait3A_108, %dma_wait3A_109] : memref<10240x32xf32, #tpu.memory_space<vmem_shared>> -> memref<10240x32xf32, #tpu.memory_space<vmem_shared>>
    tpu.wait_indirect_dma semaphore(%arg22 : memref<!tpu.dma_semaphore, #tpu.memory_space<semaphore_mem>>) src(%arg13 : memref<128x32xf32, #tpu.memory_space<vmem>>) dst(%dma_wait3A_110 : memref<10240x32xf32, #tpu.memory_space<vmem_shared>>)
    %dma_wait3A_111 = arith.constant 0 : i32
    %dma_wait3A_112 = arith.constant 0 : i32
    %dma_wait3A_113 = tpu.memref_slice %arg10[%dma_wait3A_111, %dma_wait3A_112] : memref<80x128xi32, #tpu.memory_space<vmem>> -> memref<1x128xi32, #tpu.memory_space<vmem>>
    %dma_wait3A_114 = tpu.memref_squeeze %dma_wait3A_113 : memref<1x128xi32, #tpu.memory_space<vmem>> -> memref<128xi32, #tpu.memory_space<vmem>>
    %dma_wait3A_115 = arith.constant 0 : i32
    %dma_wait3A_116 = arith.constant 0 : i32
    %dma_wait3A_117 = tpu.memref_slice %arg15[%dma_wait3A_115, %dma_wait3A_116] : memref<10240x32xf32, #tpu.memory_space<vmem_shared>> -> memref<10240x32xf32, #tpu.memory_space<vmem_shared>>
    tpu.wait_indirect_dma semaphore(%arg23 : memref<!tpu.dma_semaphore, #tpu.memory_space<semaphore_mem>>) src(%arg14 : memref<128x32xf32, #tpu.memory_space<vmem>>) dst(%dma_wait3A_117 : memref<10240x32xf32, #tpu.memory_space<vmem_shared>>)
    %barrier3A_118 = arith.constant 0 : index
    tpu.barrier barrier_id(%barrier3A_118)
    %mul3A_119 = arith.constant 640 : i32
    %mul3A_120 = arith.muli %arg1, %mul3A_119 : i32
    "tpu.region"() ({
      %run_scoped3A = tpu.sem_alloc : memref<!tpu.dma_semaphore, #tpu.memory_space<semaphore_mem>>
      %dma_start3A_121 = arith.constant 0 : i32
      %dma_start3A_122 = tpu.memref_slice %arg8[%arg0, %mul3A_120, %dma_start3A_121] : memref<2x10240x32xf32, #tpu.memory_space<hbm>> -> memref<1x640x32xf32, #tpu.memory_space<hbm>>
      %dma_start3A_123 = tpu.memref_squeeze %dma_start3A_122 : memref<1x640x32xf32, #tpu.memory_space<hbm>> -> memref<640x32xf32, #tpu.memory_space<hbm>>
      %dma_start3A_124 = arith.constant 0 : i32
      %dma_start3A_125 = tpu.memref_slice %arg15[%mul3A_120, %dma_start3A_124] : memref<10240x32xf32, #tpu.memory_space<vmem_shared>> -> memref<640x32xf32, #tpu.memory_space<vmem_shared>>
      tpu.enqueue_dma source(%dma_start3A_125 : memref<640x32xf32, #tpu.memory_space<vmem_shared>>) target(%dma_start3A_123 : memref<640x32xf32, #tpu.memory_space<hbm>>) target_semaphore(%run_scoped3A : memref<!tpu.dma_semaphore, #tpu.memory_space<semaphore_mem>>)
      %dma_wait3A_126 = arith.constant 0 : i32
      %dma_wait3A_127 = tpu.memref_slice %arg8[%arg0, %mul3A_120, %dma_wait3A_126] : memref<2x10240x32xf32, #tpu.memory_space<hbm>> -> memref<1x640x32xf32, #tpu.memory_space<hbm>>
      %dma_wait3A_128 = tpu.memref_squeeze %dma_wait3A_127 : memref<1x640x32xf32, #tpu.memory_space<hbm>> -> memref<640x32xf32, #tpu.memory_space<hbm>>
      %dma_wait3A_129 = arith.constant 0 : i32
      %dma_wait3A_130 = tpu.memref_slice %arg15[%mul3A_120, %dma_wait3A_129] : memref<10240x32xf32, #tpu.memory_space<vmem_shared>> -> memref<640x32xf32, #tpu.memory_space<vmem_shared>>
      tpu.wait_dma2 semaphore(%run_scoped3A : memref<!tpu.dma_semaphore, #tpu.memory_space<semaphore_mem>>) src(%dma_wait3A_130 : memref<640x32xf32, #tpu.memory_space<vmem_shared>>) dst(%dma_wait3A_128 : memref<640x32xf32, #tpu.memory_space<hbm>>)
      tpu.yield
    }) : () -> ()
    return
  }
}

#map = affine_map<(d0, d1) -> (0, 0)>
#map1 = affine_map<(d0, d1) -> (0, 0, 0)>
module attributes {stable_mosaic.version = 14 : i64} {
  func.func @agg(%arg0: i32, %arg1: i32, %arg2: memref<10240x32xf32, #tpu.memory_space<hbm>>, %arg3: memref<32x80x128xi32, #tpu.memory_space<hbm>>, %arg4: memref<32x80x128xi32, #tpu.memory_space<hbm>>, %arg5: memref<640x32xf32, #tpu.memory_space<hbm>>, %arg6: memref<640x16xf32, #tpu.memory_space<hbm>>, %arg7: memref<128x16xf32, #tpu.memory_space<hbm>>, %arg8: memref<2x10240x32xf32, #tpu.memory_space<hbm>>, %arg9: memref<2x10240x16xf32, #tpu.memory_space<hbm>>, %arg10: memref<80x128xi32, #tpu.memory_space<vmem>>, %arg11: memref<80x128xi32, #tpu.memory_space<vmem>>, %arg12: memref<128x32xf32, #tpu.memory_space<vmem>>, %arg13: memref<128x32xf32, #tpu.memory_space<vmem>>, %arg14: memref<128x32xf32, #tpu.memory_space<vmem>>, %arg15: memref<128x32xf32, #tpu.memory_space<vmem>>, %arg16: memref<10240x32xf32, #tpu.memory_space<vmem_shared>>, %arg17: memref<!tpu.dma_semaphore, #tpu.memory_space<semaphore_mem>>, %arg18: memref<!tpu.dma_semaphore, #tpu.memory_space<semaphore_mem>>, %arg19: memref<!tpu.dma_semaphore, #tpu.memory_space<semaphore_mem>>, %arg20: memref<!tpu.dma_semaphore, #tpu.memory_space<semaphore_mem>>, %arg21: memref<!tpu.dma_semaphore, #tpu.memory_space<semaphore_mem>>, %arg22: memref<!tpu.dma_semaphore, #tpu.memory_space<semaphore_mem>>, %arg23: memref<!tpu.dma_semaphore, #tpu.memory_space<semaphore_mem>>, %arg24: memref<!tpu.dma_semaphore, #tpu.memory_space<semaphore_mem>>, %arg25: memref<128x16xf32, #tpu.memory_space<vmem>>, %arg26: memref<10240x16xf32, #tpu.memory_space<vmem_shared>>, %arg27: memref<!tpu.dma_semaphore, #tpu.memory_space<semaphore_mem>>, %arg28: memref<!tpu.dma_semaphore, #tpu.memory_space<semaphore_mem>>, %arg29: memref<!tpu.dma_semaphore, #tpu.memory_space<semaphore_mem>>, %arg30: memref<!tpu.dma_semaphore, #tpu.memory_space<semaphore_mem>>) attributes {dimension_semantics = [#tpu.dimension_semantics<core_parallel>, #tpu.dimension_semantics<subcore_parallel>], iteration_bounds = array<i64: 2, 16>, scalar_prefetch = 0 : i64, scratch_operands = 21 : i64, tpu.core_type = #tpu.core_type<sc_vector_subcore>, window_params = [{transform_indices = #map}, {transform_indices = #map1}, {transform_indices = #map1}, {transform_indices = #map}, {transform_indices = #map}, {transform_indices = #map}, {transform_indices = #map1}, {transform_indices = #map1}]} {
    %mul3A = arith.constant 16 : i32
    %mul3A_0 = arith.muli %arg0, %mul3A : i32
    %add3A = arith.addi %mul3A_0, %arg1 : i32
    %mul3A_1 = arith.constant 640 : i32
    %mul3A_2 = arith.muli %arg1, %mul3A_1 : i32
    "tpu.region"() ({
      %run_scoped3A = tpu.sem_alloc : memref<!tpu.dma_semaphore, #tpu.memory_space<semaphore_mem>>
      %dma_start3A_179 = arith.constant 0 : i32
      %dma_start3A_180 = tpu.memref_slice %arg16[%mul3A_2, %dma_start3A_179] : memref<10240x32xf32, #tpu.memory_space<vmem_shared>> -> memref<640x32xf32, #tpu.memory_space<vmem_shared>>
      tpu.enqueue_dma source(%arg5 : memref<640x32xf32, #tpu.memory_space<hbm>>) target(%dma_start3A_180 : memref<640x32xf32, #tpu.memory_space<vmem_shared>>) target_semaphore(%run_scoped3A : memref<!tpu.dma_semaphore, #tpu.memory_space<semaphore_mem>>)
      %dma_wait3A_181 = arith.constant 0 : i32
      %dma_wait3A_182 = tpu.memref_slice %arg16[%mul3A_2, %dma_wait3A_181] : memref<10240x32xf32, #tpu.memory_space<vmem_shared>> -> memref<640x32xf32, #tpu.memory_space<vmem_shared>>
      tpu.wait_dma2 semaphore(%run_scoped3A : memref<!tpu.dma_semaphore, #tpu.memory_space<semaphore_mem>>) src(%arg5 : memref<640x32xf32, #tpu.memory_space<hbm>>) dst(%dma_wait3A_182 : memref<640x32xf32, #tpu.memory_space<vmem_shared>>)
      tpu.yield
    }) : () -> ()
    %mul3A_3 = arith.constant 640 : i32
    %mul3A_4 = arith.muli %arg1, %mul3A_3 : i32
    "tpu.region"() ({
      %run_scoped3A = tpu.sem_alloc : memref<!tpu.dma_semaphore, #tpu.memory_space<semaphore_mem>>
      %dma_start3A_179 = arith.constant 0 : i32
      %dma_start3A_180 = tpu.memref_slice %arg26[%mul3A_4, %dma_start3A_179] : memref<10240x16xf32, #tpu.memory_space<vmem_shared>> -> memref<640x16xf32, #tpu.memory_space<vmem_shared>>
      tpu.enqueue_dma source(%arg6 : memref<640x16xf32, #tpu.memory_space<hbm>>) target(%dma_start3A_180 : memref<640x16xf32, #tpu.memory_space<vmem_shared>>) target_semaphore(%run_scoped3A : memref<!tpu.dma_semaphore, #tpu.memory_space<semaphore_mem>>)
      %dma_wait3A_181 = arith.constant 0 : i32
      %dma_wait3A_182 = tpu.memref_slice %arg26[%mul3A_4, %dma_wait3A_181] : memref<10240x16xf32, #tpu.memory_space<vmem_shared>> -> memref<640x16xf32, #tpu.memory_space<vmem_shared>>
      tpu.wait_dma2 semaphore(%run_scoped3A : memref<!tpu.dma_semaphore, #tpu.memory_space<semaphore_mem>>) src(%arg6 : memref<640x16xf32, #tpu.memory_space<hbm>>) dst(%dma_wait3A_182 : memref<640x16xf32, #tpu.memory_space<vmem_shared>>)
      tpu.yield
    }) : () -> ()
    "tpu.region"() ({
      %run_scoped3A = tpu.sem_alloc : memref<!tpu.dma_semaphore, #tpu.memory_space<semaphore_mem>>
      tpu.enqueue_dma source(%arg7 : memref<128x16xf32, #tpu.memory_space<hbm>>) target(%arg25 : memref<128x16xf32, #tpu.memory_space<vmem>>) target_semaphore(%run_scoped3A : memref<!tpu.dma_semaphore, #tpu.memory_space<semaphore_mem>>)
      tpu.wait_dma2 semaphore(%run_scoped3A : memref<!tpu.dma_semaphore, #tpu.memory_space<semaphore_mem>>) src(%arg7 : memref<128x16xf32, #tpu.memory_space<hbm>>) dst(%arg25 : memref<128x16xf32, #tpu.memory_space<vmem>>)
      tpu.yield
    }) : () -> ()
    "tpu.region"() ({
      %run_scoped3A = tpu.sem_alloc : memref<!tpu.dma_semaphore, #tpu.memory_space<semaphore_mem>>
      %dma_start3A_179 = arith.constant 0 : i32
      %dma_start3A_180 = arith.constant 0 : i32
      %dma_start3A_181 = tpu.memref_slice %arg3[%add3A, %dma_start3A_179, %dma_start3A_180] : memref<32x80x128xi32, #tpu.memory_space<hbm>> -> memref<1x80x128xi32, #tpu.memory_space<hbm>>
      %dma_start3A_182 = tpu.memref_squeeze %dma_start3A_181 : memref<1x80x128xi32, #tpu.memory_space<hbm>> -> memref<80x128xi32, #tpu.memory_space<hbm>>
      %dma_start3A_183 = arith.constant 0 : i32
      %dma_start3A_184 = arith.constant 0 : i32
      %dma_start3A_185 = tpu.memref_slice %arg3[%add3A, %dma_start3A_183, %dma_start3A_184] : memref<32x80x128xi32, #tpu.memory_space<hbm>> -> memref<1x80x128xi32, #tpu.memory_space<hbm>>
      %dma_start3A_186 = tpu.memref_squeeze %dma_start3A_185 : memref<1x80x128xi32, #tpu.memory_space<hbm>> -> memref<80x128xi32, #tpu.memory_space<hbm>>
      tpu.enqueue_dma source(%dma_start3A_186 : memref<80x128xi32, #tpu.memory_space<hbm>>) target(%arg10 : memref<80x128xi32, #tpu.memory_space<vmem>>) target_semaphore(%run_scoped3A : memref<!tpu.dma_semaphore, #tpu.memory_space<semaphore_mem>>)
      %dma_wait3A_187 = arith.constant 0 : i32
      %dma_wait3A_188 = arith.constant 0 : i32
      %dma_wait3A_189 = tpu.memref_slice %arg3[%add3A, %dma_wait3A_187, %dma_wait3A_188] : memref<32x80x128xi32, #tpu.memory_space<hbm>> -> memref<1x80x128xi32, #tpu.memory_space<hbm>>
      %dma_wait3A_190 = tpu.memref_squeeze %dma_wait3A_189 : memref<1x80x128xi32, #tpu.memory_space<hbm>> -> memref<80x128xi32, #tpu.memory_space<hbm>>
      %dma_wait3A_191 = arith.constant 0 : i32
      %dma_wait3A_192 = arith.constant 0 : i32
      %dma_wait3A_193 = tpu.memref_slice %arg3[%add3A, %dma_wait3A_191, %dma_wait3A_192] : memref<32x80x128xi32, #tpu.memory_space<hbm>> -> memref<1x80x128xi32, #tpu.memory_space<hbm>>
      %dma_wait3A_194 = tpu.memref_squeeze %dma_wait3A_193 : memref<1x80x128xi32, #tpu.memory_space<hbm>> -> memref<80x128xi32, #tpu.memory_space<hbm>>
      tpu.wait_dma2 semaphore(%run_scoped3A : memref<!tpu.dma_semaphore, #tpu.memory_space<semaphore_mem>>) src(%dma_wait3A_194 : memref<80x128xi32, #tpu.memory_space<hbm>>) dst(%arg10 : memref<80x128xi32, #tpu.memory_space<vmem>>)
      tpu.yield
    }) : () -> ()
    "tpu.region"() ({
      %run_scoped3A = tpu.sem_alloc : memref<!tpu.dma_semaphore, #tpu.memory_space<semaphore_mem>>
      %dma_start3A_179 = arith.constant 0 : i32
      %dma_start3A_180 = arith.constant 0 : i32
      %dma_start3A_181 = tpu.memref_slice %arg4[%add3A, %dma_start3A_179, %dma_start3A_180] : memref<32x80x128xi32, #tpu.memory_space<hbm>> -> memref<1x80x128xi32, #tpu.memory_space<hbm>>
      %dma_start3A_182 = tpu.memref_squeeze %dma_start3A_181 : memref<1x80x128xi32, #tpu.memory_space<hbm>> -> memref<80x128xi32, #tpu.memory_space<hbm>>
      %dma_start3A_183 = arith.constant 0 : i32
      %dma_start3A_184 = arith.constant 0 : i32
      %dma_start3A_185 = tpu.memref_slice %arg4[%add3A, %dma_start3A_183, %dma_start3A_184] : memref<32x80x128xi32, #tpu.memory_space<hbm>> -> memref<1x80x128xi32, #tpu.memory_space<hbm>>
      %dma_start3A_186 = tpu.memref_squeeze %dma_start3A_185 : memref<1x80x128xi32, #tpu.memory_space<hbm>> -> memref<80x128xi32, #tpu.memory_space<hbm>>
      tpu.enqueue_dma source(%dma_start3A_186 : memref<80x128xi32, #tpu.memory_space<hbm>>) target(%arg11 : memref<80x128xi32, #tpu.memory_space<vmem>>) target_semaphore(%run_scoped3A : memref<!tpu.dma_semaphore, #tpu.memory_space<semaphore_mem>>)
      %dma_wait3A_187 = arith.constant 0 : i32
      %dma_wait3A_188 = arith.constant 0 : i32
      %dma_wait3A_189 = tpu.memref_slice %arg4[%add3A, %dma_wait3A_187, %dma_wait3A_188] : memref<32x80x128xi32, #tpu.memory_space<hbm>> -> memref<1x80x128xi32, #tpu.memory_space<hbm>>
      %dma_wait3A_190 = tpu.memref_squeeze %dma_wait3A_189 : memref<1x80x128xi32, #tpu.memory_space<hbm>> -> memref<80x128xi32, #tpu.memory_space<hbm>>
      %dma_wait3A_191 = arith.constant 0 : i32
      %dma_wait3A_192 = arith.constant 0 : i32
      %dma_wait3A_193 = tpu.memref_slice %arg4[%add3A, %dma_wait3A_191, %dma_wait3A_192] : memref<32x80x128xi32, #tpu.memory_space<hbm>> -> memref<1x80x128xi32, #tpu.memory_space<hbm>>
      %dma_wait3A_194 = tpu.memref_squeeze %dma_wait3A_193 : memref<1x80x128xi32, #tpu.memory_space<hbm>> -> memref<80x128xi32, #tpu.memory_space<hbm>>
      tpu.wait_dma2 semaphore(%run_scoped3A : memref<!tpu.dma_semaphore, #tpu.memory_space<semaphore_mem>>) src(%dma_wait3A_194 : memref<80x128xi32, #tpu.memory_space<hbm>>) dst(%arg11 : memref<80x128xi32, #tpu.memory_space<vmem>>)
      tpu.yield
    }) : () -> ()
    %barrier3A = arith.constant 0 : index
    tpu.barrier barrier_id(%barrier3A)
    %dma_start3A = arith.constant 0 : i32
    %dma_start3A_5 = arith.constant 0 : i32
    %dma_start3A_6 = tpu.memref_slice %arg10[%dma_start3A, %dma_start3A_5] : memref<80x128xi32, #tpu.memory_space<vmem>> -> memref<1x128xi32, #tpu.memory_space<vmem>>
    %dma_start3A_7 = tpu.memref_squeeze %dma_start3A_6 : memref<1x128xi32, #tpu.memory_space<vmem>> -> memref<128xi32, #tpu.memory_space<vmem>>
    %dma_start3A_8 = arith.constant 0 : i32
    %dma_start3A_9 = arith.constant 0 : i32
    %dma_start3A_10 = tpu.memref_slice %arg2[%dma_start3A_8, %dma_start3A_9] : memref<10240x32xf32, #tpu.memory_space<hbm>> -> memref<10240x32xf32, #tpu.memory_space<hbm>>
    tpu.enqueue_indirect_dma source(%dma_start3A_10 : memref<10240x32xf32, #tpu.memory_space<hbm>>) target(%arg12 : memref<128x32xf32, #tpu.memory_space<vmem>>) offsets(%dma_start3A_7 : memref<128xi32, #tpu.memory_space<vmem>>) semaphore(%arg17 : memref<!tpu.dma_semaphore, #tpu.memory_space<semaphore_mem>>)
    %dma_start3A_11 = arith.constant 1 : i32
    %dma_start3A_12 = arith.constant 0 : i32
    %dma_start3A_13 = tpu.memref_slice %arg10[%dma_start3A_11, %dma_start3A_12] : memref<80x128xi32, #tpu.memory_space<vmem>> -> memref<1x128xi32, #tpu.memory_space<vmem>>
    %dma_start3A_14 = tpu.memref_squeeze %dma_start3A_13 : memref<1x128xi32, #tpu.memory_space<vmem>> -> memref<128xi32, #tpu.memory_space<vmem>>
    %dma_start3A_15 = arith.constant 0 : i32
    %dma_start3A_16 = arith.constant 0 : i32
    %dma_start3A_17 = tpu.memref_slice %arg2[%dma_start3A_15, %dma_start3A_16] : memref<10240x32xf32, #tpu.memory_space<hbm>> -> memref<10240x32xf32, #tpu.memory_space<hbm>>
    tpu.enqueue_indirect_dma source(%dma_start3A_17 : memref<10240x32xf32, #tpu.memory_space<hbm>>) target(%arg13 : memref<128x32xf32, #tpu.memory_space<vmem>>) offsets(%dma_start3A_14 : memref<128xi32, #tpu.memory_space<vmem>>) semaphore(%arg18 : memref<!tpu.dma_semaphore, #tpu.memory_space<semaphore_mem>>)
    %dma_start3A_18 = arith.constant 2 : i32
    %dma_start3A_19 = arith.constant 0 : i32
    %dma_start3A_20 = tpu.memref_slice %arg10[%dma_start3A_18, %dma_start3A_19] : memref<80x128xi32, #tpu.memory_space<vmem>> -> memref<1x128xi32, #tpu.memory_space<vmem>>
    %dma_start3A_21 = tpu.memref_squeeze %dma_start3A_20 : memref<1x128xi32, #tpu.memory_space<vmem>> -> memref<128xi32, #tpu.memory_space<vmem>>
    %dma_start3A_22 = arith.constant 0 : i32
    %dma_start3A_23 = arith.constant 0 : i32
    %dma_start3A_24 = tpu.memref_slice %arg2[%dma_start3A_22, %dma_start3A_23] : memref<10240x32xf32, #tpu.memory_space<hbm>> -> memref<10240x32xf32, #tpu.memory_space<hbm>>
    tpu.enqueue_indirect_dma source(%dma_start3A_24 : memref<10240x32xf32, #tpu.memory_space<hbm>>) target(%arg14 : memref<128x32xf32, #tpu.memory_space<vmem>>) offsets(%dma_start3A_21 : memref<128xi32, #tpu.memory_space<vmem>>) semaphore(%arg19 : memref<!tpu.dma_semaphore, #tpu.memory_space<semaphore_mem>>)
    %dma_wait3A = arith.constant 0 : i32
    %dma_wait3A_25 = arith.constant 0 : i32
    %dma_wait3A_26 = tpu.memref_slice %arg10[%dma_wait3A, %dma_wait3A_25] : memref<80x128xi32, #tpu.memory_space<vmem>> -> memref<1x128xi32, #tpu.memory_space<vmem>>
    %dma_wait3A_27 = tpu.memref_squeeze %dma_wait3A_26 : memref<1x128xi32, #tpu.memory_space<vmem>> -> memref<128xi32, #tpu.memory_space<vmem>>
    %dma_wait3A_28 = arith.constant 0 : i32
    %dma_wait3A_29 = arith.constant 0 : i32
    %dma_wait3A_30 = tpu.memref_slice %arg2[%dma_wait3A_28, %dma_wait3A_29] : memref<10240x32xf32, #tpu.memory_space<hbm>> -> memref<10240x32xf32, #tpu.memory_space<hbm>>
    tpu.wait_indirect_dma semaphore(%arg17 : memref<!tpu.dma_semaphore, #tpu.memory_space<semaphore_mem>>) src(%dma_wait3A_30 : memref<10240x32xf32, #tpu.memory_space<hbm>>) dst(%arg12 : memref<128x32xf32, #tpu.memory_space<vmem>>)
    %dma_start3A_31 = arith.constant 0 : i32
    %dma_start3A_32 = arith.constant 0 : i32
    %dma_start3A_33 = tpu.memref_slice %arg11[%dma_start3A_31, %dma_start3A_32] : memref<80x128xi32, #tpu.memory_space<vmem>> -> memref<1x128xi32, #tpu.memory_space<vmem>>
    %dma_start3A_34 = tpu.memref_squeeze %dma_start3A_33 : memref<1x128xi32, #tpu.memory_space<vmem>> -> memref<128xi32, #tpu.memory_space<vmem>>
    %dma_start3A_35 = arith.constant 0 : i32
    %dma_start3A_36 = arith.constant 0 : i32
    %dma_start3A_37 = tpu.memref_slice %arg16[%dma_start3A_35, %dma_start3A_36] : memref<10240x32xf32, #tpu.memory_space<vmem_shared>> -> memref<10240x32xf32, #tpu.memory_space<vmem_shared>>
    tpu.enqueue_indirect_dma source(%arg12 : memref<128x32xf32, #tpu.memory_space<vmem>>) target(%dma_start3A_37 : memref<10240x32xf32, #tpu.memory_space<vmem_shared>>) offsets(%dma_start3A_34 : memref<128xi32, #tpu.memory_space<vmem>>) semaphore(%arg21 : memref<!tpu.dma_semaphore, #tpu.memory_space<semaphore_mem>>) {add = true}
    %dma_start3A_38 = arith.constant 0 : i32
    %dma_start3A_39 = arith.constant 0 : i32
    %dma_start3A_40 = tpu.memref_slice %arg11[%dma_start3A_38, %dma_start3A_39] : memref<80x128xi32, #tpu.memory_space<vmem>> -> memref<1x128xi32, #tpu.memory_space<vmem>>
    %dma_start3A_41 = tpu.memref_squeeze %dma_start3A_40 : memref<1x128xi32, #tpu.memory_space<vmem>> -> memref<128xi32, #tpu.memory_space<vmem>>
    %dma_start3A_42 = arith.constant 0 : i32
    %dma_start3A_43 = arith.constant 0 : i32
    %dma_start3A_44 = tpu.memref_slice %arg26[%dma_start3A_42, %dma_start3A_43] : memref<10240x16xf32, #tpu.memory_space<vmem_shared>> -> memref<10240x16xf32, #tpu.memory_space<vmem_shared>>
    tpu.enqueue_indirect_dma source(%arg25 : memref<128x16xf32, #tpu.memory_space<vmem>>) target(%dma_start3A_44 : memref<10240x16xf32, #tpu.memory_space<vmem_shared>>) offsets(%dma_start3A_41 : memref<128xi32, #tpu.memory_space<vmem>>) semaphore(%arg27 : memref<!tpu.dma_semaphore, #tpu.memory_space<semaphore_mem>>) {add = true}
    %dma_start3A_45 = arith.constant 3 : i32
    %dma_start3A_46 = arith.constant 0 : i32
    %dma_start3A_47 = tpu.memref_slice %arg10[%dma_start3A_45, %dma_start3A_46] : memref<80x128xi32, #tpu.memory_space<vmem>> -> memref<1x128xi32, #tpu.memory_space<vmem>>
    %dma_start3A_48 = tpu.memref_squeeze %dma_start3A_47 : memref<1x128xi32, #tpu.memory_space<vmem>> -> memref<128xi32, #tpu.memory_space<vmem>>
    %dma_start3A_49 = arith.constant 0 : i32
    %dma_start3A_50 = arith.constant 0 : i32
    %dma_start3A_51 = tpu.memref_slice %arg2[%dma_start3A_49, %dma_start3A_50] : memref<10240x32xf32, #tpu.memory_space<hbm>> -> memref<10240x32xf32, #tpu.memory_space<hbm>>
    tpu.enqueue_indirect_dma source(%dma_start3A_51 : memref<10240x32xf32, #tpu.memory_space<hbm>>) target(%arg15 : memref<128x32xf32, #tpu.memory_space<vmem>>) offsets(%dma_start3A_48 : memref<128xi32, #tpu.memory_space<vmem>>) semaphore(%arg20 : memref<!tpu.dma_semaphore, #tpu.memory_space<semaphore_mem>>)
    %dma_wait3A_52 = arith.constant 1 : i32
    %dma_wait3A_53 = arith.constant 0 : i32
    %dma_wait3A_54 = tpu.memref_slice %arg10[%dma_wait3A_52, %dma_wait3A_53] : memref<80x128xi32, #tpu.memory_space<vmem>> -> memref<1x128xi32, #tpu.memory_space<vmem>>
    %dma_wait3A_55 = tpu.memref_squeeze %dma_wait3A_54 : memref<1x128xi32, #tpu.memory_space<vmem>> -> memref<128xi32, #tpu.memory_space<vmem>>
    %dma_wait3A_56 = arith.constant 0 : i32
    %dma_wait3A_57 = arith.constant 0 : i32
    %dma_wait3A_58 = tpu.memref_slice %arg2[%dma_wait3A_56, %dma_wait3A_57] : memref<10240x32xf32, #tpu.memory_space<hbm>> -> memref<10240x32xf32, #tpu.memory_space<hbm>>
    tpu.wait_indirect_dma semaphore(%arg18 : memref<!tpu.dma_semaphore, #tpu.memory_space<semaphore_mem>>) src(%dma_wait3A_58 : memref<10240x32xf32, #tpu.memory_space<hbm>>) dst(%arg13 : memref<128x32xf32, #tpu.memory_space<vmem>>)
    %dma_start3A_59 = arith.constant 1 : i32
    %dma_start3A_60 = arith.constant 0 : i32
    %dma_start3A_61 = tpu.memref_slice %arg11[%dma_start3A_59, %dma_start3A_60] : memref<80x128xi32, #tpu.memory_space<vmem>> -> memref<1x128xi32, #tpu.memory_space<vmem>>
    %dma_start3A_62 = tpu.memref_squeeze %dma_start3A_61 : memref<1x128xi32, #tpu.memory_space<vmem>> -> memref<128xi32, #tpu.memory_space<vmem>>
    %dma_start3A_63 = arith.constant 0 : i32
    %dma_start3A_64 = arith.constant 0 : i32
    %dma_start3A_65 = tpu.memref_slice %arg16[%dma_start3A_63, %dma_start3A_64] : memref<10240x32xf32, #tpu.memory_space<vmem_shared>> -> memref<10240x32xf32, #tpu.memory_space<vmem_shared>>
    tpu.enqueue_indirect_dma source(%arg13 : memref<128x32xf32, #tpu.memory_space<vmem>>) target(%dma_start3A_65 : memref<10240x32xf32, #tpu.memory_space<vmem_shared>>) offsets(%dma_start3A_62 : memref<128xi32, #tpu.memory_space<vmem>>) semaphore(%arg22 : memref<!tpu.dma_semaphore, #tpu.memory_space<semaphore_mem>>) {add = true}
    %dma_start3A_66 = arith.constant 1 : i32
    %dma_start3A_67 = arith.constant 0 : i32
    %dma_start3A_68 = tpu.memref_slice %arg11[%dma_start3A_66, %dma_start3A_67] : memref<80x128xi32, #tpu.memory_space<vmem>> -> memref<1x128xi32, #tpu.memory_space<vmem>>
    %dma_start3A_69 = tpu.memref_squeeze %dma_start3A_68 : memref<1x128xi32, #tpu.memory_space<vmem>> -> memref<128xi32, #tpu.memory_space<vmem>>
    %dma_start3A_70 = arith.constant 0 : i32
    %dma_start3A_71 = arith.constant 0 : i32
    %dma_start3A_72 = tpu.memref_slice %arg26[%dma_start3A_70, %dma_start3A_71] : memref<10240x16xf32, #tpu.memory_space<vmem_shared>> -> memref<10240x16xf32, #tpu.memory_space<vmem_shared>>
    tpu.enqueue_indirect_dma source(%arg25 : memref<128x16xf32, #tpu.memory_space<vmem>>) target(%dma_start3A_72 : memref<10240x16xf32, #tpu.memory_space<vmem_shared>>) offsets(%dma_start3A_69 : memref<128xi32, #tpu.memory_space<vmem>>) semaphore(%arg28 : memref<!tpu.dma_semaphore, #tpu.memory_space<semaphore_mem>>) {add = true}
    %scan3A = arith.constant 0 : i32
    %scan3A_73 = arith.constant 0 : i32
    %scan3A_74 = arith.constant 19 : i32
    %scan3A_75 = arith.addi %scan3A_73, %scan3A_74 : i32
    %scan3A_76 = arith.constant 1 : i32
    scf.for %scan3A_179 = %scan3A_73 to %scan3A_75 step %scan3A_76  : i32 {
      %mul3A_180 = arith.constant 4 : i32
      %mul3A_181 = arith.muli %scan3A_179, %mul3A_180 : i32
      %add3A_182 = arith.constant 4 : i32
      %add3A_183 = arith.addi %add3A_182, %mul3A_181 : i32
      %add3A_184 = arith.constant 0 : i32
      %add3A_185 = arith.addi %add3A_183, %add3A_184 : i32
      %dma_wait3A_186 = arith.constant 0 : i32
      %dma_wait3A_187 = arith.constant 0 : i32
      %dma_wait3A_188 = tpu.memref_slice %arg11[%dma_wait3A_186, %dma_wait3A_187] : memref<80x128xi32, #tpu.memory_space<vmem>> -> memref<1x128xi32, #tpu.memory_space<vmem>>
      %dma_wait3A_189 = tpu.memref_squeeze %dma_wait3A_188 : memref<1x128xi32, #tpu.memory_space<vmem>> -> memref<128xi32, #tpu.memory_space<vmem>>
      %dma_wait3A_190 = arith.constant 0 : i32
      %dma_wait3A_191 = arith.constant 0 : i32
      %dma_wait3A_192 = tpu.memref_slice %arg16[%dma_wait3A_190, %dma_wait3A_191] : memref<10240x32xf32, #tpu.memory_space<vmem_shared>> -> memref<10240x32xf32, #tpu.memory_space<vmem_shared>>
      tpu.wait_indirect_dma semaphore(%arg21 : memref<!tpu.dma_semaphore, #tpu.memory_space<semaphore_mem>>) src(%arg12 : memref<128x32xf32, #tpu.memory_space<vmem>>) dst(%dma_wait3A_192 : memref<10240x32xf32, #tpu.memory_space<vmem_shared>>)
      %dma_wait3A_193 = arith.constant 0 : i32
      %dma_wait3A_194 = arith.constant 0 : i32
      %dma_wait3A_195 = tpu.memref_slice %arg11[%dma_wait3A_193, %dma_wait3A_194] : memref<80x128xi32, #tpu.memory_space<vmem>> -> memref<1x128xi32, #tpu.memory_space<vmem>>
      %dma_wait3A_196 = tpu.memref_squeeze %dma_wait3A_195 : memref<1x128xi32, #tpu.memory_space<vmem>> -> memref<128xi32, #tpu.memory_space<vmem>>
      %dma_wait3A_197 = arith.constant 0 : i32
      %dma_wait3A_198 = arith.constant 0 : i32
      %dma_wait3A_199 = tpu.memref_slice %arg26[%dma_wait3A_197, %dma_wait3A_198] : memref<10240x16xf32, #tpu.memory_space<vmem_shared>> -> memref<10240x16xf32, #tpu.memory_space<vmem_shared>>
      tpu.wait_indirect_dma semaphore(%arg27 : memref<!tpu.dma_semaphore, #tpu.memory_space<semaphore_mem>>) src(%arg25 : memref<128x16xf32, #tpu.memory_space<vmem>>) dst(%dma_wait3A_199 : memref<10240x16xf32, #tpu.memory_space<vmem_shared>>)
      %dma_start3A_200 = arith.constant 0 : i32
      %dma_start3A_201 = tpu.memref_slice %arg10[%add3A_185, %dma_start3A_200] : memref<80x128xi32, #tpu.memory_space<vmem>> -> memref<1x128xi32, #tpu.memory_space<vmem>>
      %dma_start3A_202 = tpu.memref_squeeze %dma_start3A_201 : memref<1x128xi32, #tpu.memory_space<vmem>> -> memref<128xi32, #tpu.memory_space<vmem>>
      %dma_start3A_203 = arith.constant 0 : i32
      %dma_start3A_204 = arith.constant 0 : i32
      %dma_start3A_205 = tpu.memref_slice %arg2[%dma_start3A_203, %dma_start3A_204] : memref<10240x32xf32, #tpu.memory_space<hbm>> -> memref<10240x32xf32, #tpu.memory_space<hbm>>
      tpu.enqueue_indirect_dma source(%dma_start3A_205 : memref<10240x32xf32, #tpu.memory_space<hbm>>) target(%arg12 : memref<128x32xf32, #tpu.memory_space<vmem>>) offsets(%dma_start3A_202 : memref<128xi32, #tpu.memory_space<vmem>>) semaphore(%arg17 : memref<!tpu.dma_semaphore, #tpu.memory_space<semaphore_mem>>)
      %sub3A = arith.constant 2 : i32
      %sub3A_206 = arith.subi %add3A_185, %sub3A : i32
      %dma_wait3A_207 = arith.constant 0 : i32
      %dma_wait3A_208 = tpu.memref_slice %arg10[%sub3A_206, %dma_wait3A_207] : memref<80x128xi32, #tpu.memory_space<vmem>> -> memref<1x128xi32, #tpu.memory_space<vmem>>
      %dma_wait3A_209 = tpu.memref_squeeze %dma_wait3A_208 : memref<1x128xi32, #tpu.memory_space<vmem>> -> memref<128xi32, #tpu.memory_space<vmem>>
      %dma_wait3A_210 = arith.constant 0 : i32
      %dma_wait3A_211 = arith.constant 0 : i32
      %dma_wait3A_212 = tpu.memref_slice %arg2[%dma_wait3A_210, %dma_wait3A_211] : memref<10240x32xf32, #tpu.memory_space<hbm>> -> memref<10240x32xf32, #tpu.memory_space<hbm>>
      tpu.wait_indirect_dma semaphore(%arg19 : memref<!tpu.dma_semaphore, #tpu.memory_space<semaphore_mem>>) src(%dma_wait3A_212 : memref<10240x32xf32, #tpu.memory_space<hbm>>) dst(%arg14 : memref<128x32xf32, #tpu.memory_space<vmem>>)
      %dma_start3A_213 = arith.constant 0 : i32
      %dma_start3A_214 = tpu.memref_slice %arg11[%sub3A_206, %dma_start3A_213] : memref<80x128xi32, #tpu.memory_space<vmem>> -> memref<1x128xi32, #tpu.memory_space<vmem>>
      %dma_start3A_215 = tpu.memref_squeeze %dma_start3A_214 : memref<1x128xi32, #tpu.memory_space<vmem>> -> memref<128xi32, #tpu.memory_space<vmem>>
      %dma_start3A_216 = arith.constant 0 : i32
      %dma_start3A_217 = arith.constant 0 : i32
      %dma_start3A_218 = tpu.memref_slice %arg16[%dma_start3A_216, %dma_start3A_217] : memref<10240x32xf32, #tpu.memory_space<vmem_shared>> -> memref<10240x32xf32, #tpu.memory_space<vmem_shared>>
      tpu.enqueue_indirect_dma source(%arg14 : memref<128x32xf32, #tpu.memory_space<vmem>>) target(%dma_start3A_218 : memref<10240x32xf32, #tpu.memory_space<vmem_shared>>) offsets(%dma_start3A_215 : memref<128xi32, #tpu.memory_space<vmem>>) semaphore(%arg23 : memref<!tpu.dma_semaphore, #tpu.memory_space<semaphore_mem>>) {add = true}
      %dma_start3A_219 = arith.constant 0 : i32
      %dma_start3A_220 = tpu.memref_slice %arg11[%sub3A_206, %dma_start3A_219] : memref<80x128xi32, #tpu.memory_space<vmem>> -> memref<1x128xi32, #tpu.memory_space<vmem>>
      %dma_start3A_221 = tpu.memref_squeeze %dma_start3A_220 : memref<1x128xi32, #tpu.memory_space<vmem>> -> memref<128xi32, #tpu.memory_space<vmem>>
      %dma_start3A_222 = arith.constant 0 : i32
      %dma_start3A_223 = arith.constant 0 : i32
      %dma_start3A_224 = tpu.memref_slice %arg26[%dma_start3A_222, %dma_start3A_223] : memref<10240x16xf32, #tpu.memory_space<vmem_shared>> -> memref<10240x16xf32, #tpu.memory_space<vmem_shared>>
      tpu.enqueue_indirect_dma source(%arg25 : memref<128x16xf32, #tpu.memory_space<vmem>>) target(%dma_start3A_224 : memref<10240x16xf32, #tpu.memory_space<vmem_shared>>) offsets(%dma_start3A_221 : memref<128xi32, #tpu.memory_space<vmem>>) semaphore(%arg29 : memref<!tpu.dma_semaphore, #tpu.memory_space<semaphore_mem>>) {add = true}
      %mul3A_225 = arith.constant 4 : i32
      %mul3A_226 = arith.muli %scan3A_179, %mul3A_225 : i32
      %add3A_227 = arith.constant 4 : i32
      %add3A_228 = arith.addi %add3A_227, %mul3A_226 : i32
      %add3A_229 = arith.constant 1 : i32
      %add3A_230 = arith.addi %add3A_228, %add3A_229 : i32
      %dma_wait3A_231 = arith.constant 0 : i32
      %dma_wait3A_232 = arith.constant 0 : i32
      %dma_wait3A_233 = tpu.memref_slice %arg11[%dma_wait3A_231, %dma_wait3A_232] : memref<80x128xi32, #tpu.memory_space<vmem>> -> memref<1x128xi32, #tpu.memory_space<vmem>>
      %dma_wait3A_234 = tpu.memref_squeeze %dma_wait3A_233 : memref<1x128xi32, #tpu.memory_space<vmem>> -> memref<128xi32, #tpu.memory_space<vmem>>
      %dma_wait3A_235 = arith.constant 0 : i32
      %dma_wait3A_236 = arith.constant 0 : i32
      %dma_wait3A_237 = tpu.memref_slice %arg16[%dma_wait3A_235, %dma_wait3A_236] : memref<10240x32xf32, #tpu.memory_space<vmem_shared>> -> memref<10240x32xf32, #tpu.memory_space<vmem_shared>>
      tpu.wait_indirect_dma semaphore(%arg22 : memref<!tpu.dma_semaphore, #tpu.memory_space<semaphore_mem>>) src(%arg13 : memref<128x32xf32, #tpu.memory_space<vmem>>) dst(%dma_wait3A_237 : memref<10240x32xf32, #tpu.memory_space<vmem_shared>>)
      %dma_wait3A_238 = arith.constant 0 : i32
      %dma_wait3A_239 = arith.constant 0 : i32
      %dma_wait3A_240 = tpu.memref_slice %arg11[%dma_wait3A_238, %dma_wait3A_239] : memref<80x128xi32, #tpu.memory_space<vmem>> -> memref<1x128xi32, #tpu.memory_space<vmem>>
      %dma_wait3A_241 = tpu.memref_squeeze %dma_wait3A_240 : memref<1x128xi32, #tpu.memory_space<vmem>> -> memref<128xi32, #tpu.memory_space<vmem>>
      %dma_wait3A_242 = arith.constant 0 : i32
      %dma_wait3A_243 = arith.constant 0 : i32
      %dma_wait3A_244 = tpu.memref_slice %arg26[%dma_wait3A_242, %dma_wait3A_243] : memref<10240x16xf32, #tpu.memory_space<vmem_shared>> -> memref<10240x16xf32, #tpu.memory_space<vmem_shared>>
      tpu.wait_indirect_dma semaphore(%arg28 : memref<!tpu.dma_semaphore, #tpu.memory_space<semaphore_mem>>) src(%arg25 : memref<128x16xf32, #tpu.memory_space<vmem>>) dst(%dma_wait3A_244 : memref<10240x16xf32, #tpu.memory_space<vmem_shared>>)
      %dma_start3A_245 = arith.constant 0 : i32
      %dma_start3A_246 = tpu.memref_slice %arg10[%add3A_230, %dma_start3A_245] : memref<80x128xi32, #tpu.memory_space<vmem>> -> memref<1x128xi32, #tpu.memory_space<vmem>>
      %dma_start3A_247 = tpu.memref_squeeze %dma_start3A_246 : memref<1x128xi32, #tpu.memory_space<vmem>> -> memref<128xi32, #tpu.memory_space<vmem>>
      %dma_start3A_248 = arith.constant 0 : i32
      %dma_start3A_249 = arith.constant 0 : i32
      %dma_start3A_250 = tpu.memref_slice %arg2[%dma_start3A_248, %dma_start3A_249] : memref<10240x32xf32, #tpu.memory_space<hbm>> -> memref<10240x32xf32, #tpu.memory_space<hbm>>
      tpu.enqueue_indirect_dma source(%dma_start3A_250 : memref<10240x32xf32, #tpu.memory_space<hbm>>) target(%arg13 : memref<128x32xf32, #tpu.memory_space<vmem>>) offsets(%dma_start3A_247 : memref<128xi32, #tpu.memory_space<vmem>>) semaphore(%arg18 : memref<!tpu.dma_semaphore, #tpu.memory_space<semaphore_mem>>)
      %sub3A_251 = arith.constant 2 : i32
      %sub3A_252 = arith.subi %add3A_230, %sub3A_251 : i32
      %dma_wait3A_253 = arith.constant 0 : i32
      %dma_wait3A_254 = tpu.memref_slice %arg10[%sub3A_252, %dma_wait3A_253] : memref<80x128xi32, #tpu.memory_space<vmem>> -> memref<1x128xi32, #tpu.memory_space<vmem>>
      %dma_wait3A_255 = tpu.memref_squeeze %dma_wait3A_254 : memref<1x128xi32, #tpu.memory_space<vmem>> -> memref<128xi32, #tpu.memory_space<vmem>>
      %dma_wait3A_256 = arith.constant 0 : i32
      %dma_wait3A_257 = arith.constant 0 : i32
      %dma_wait3A_258 = tpu.memref_slice %arg2[%dma_wait3A_256, %dma_wait3A_257] : memref<10240x32xf32, #tpu.memory_space<hbm>> -> memref<10240x32xf32, #tpu.memory_space<hbm>>
      tpu.wait_indirect_dma semaphore(%arg20 : memref<!tpu.dma_semaphore, #tpu.memory_space<semaphore_mem>>) src(%dma_wait3A_258 : memref<10240x32xf32, #tpu.memory_space<hbm>>) dst(%arg15 : memref<128x32xf32, #tpu.memory_space<vmem>>)
      %dma_start3A_259 = arith.constant 0 : i32
      %dma_start3A_260 = tpu.memref_slice %arg11[%sub3A_252, %dma_start3A_259] : memref<80x128xi32, #tpu.memory_space<vmem>> -> memref<1x128xi32, #tpu.memory_space<vmem>>
      %dma_start3A_261 = tpu.memref_squeeze %dma_start3A_260 : memref<1x128xi32, #tpu.memory_space<vmem>> -> memref<128xi32, #tpu.memory_space<vmem>>
      %dma_start3A_262 = arith.constant 0 : i32
      %dma_start3A_263 = arith.constant 0 : i32
      %dma_start3A_264 = tpu.memref_slice %arg16[%dma_start3A_262, %dma_start3A_263] : memref<10240x32xf32, #tpu.memory_space<vmem_shared>> -> memref<10240x32xf32, #tpu.memory_space<vmem_shared>>
      tpu.enqueue_indirect_dma source(%arg15 : memref<128x32xf32, #tpu.memory_space<vmem>>) target(%dma_start3A_264 : memref<10240x32xf32, #tpu.memory_space<vmem_shared>>) offsets(%dma_start3A_261 : memref<128xi32, #tpu.memory_space<vmem>>) semaphore(%arg24 : memref<!tpu.dma_semaphore, #tpu.memory_space<semaphore_mem>>) {add = true}
      %dma_start3A_265 = arith.constant 0 : i32
      %dma_start3A_266 = tpu.memref_slice %arg11[%sub3A_252, %dma_start3A_265] : memref<80x128xi32, #tpu.memory_space<vmem>> -> memref<1x128xi32, #tpu.memory_space<vmem>>
      %dma_start3A_267 = tpu.memref_squeeze %dma_start3A_266 : memref<1x128xi32, #tpu.memory_space<vmem>> -> memref<128xi32, #tpu.memory_space<vmem>>
      %dma_start3A_268 = arith.constant 0 : i32
      %dma_start3A_269 = arith.constant 0 : i32
      %dma_start3A_270 = tpu.memref_slice %arg26[%dma_start3A_268, %dma_start3A_269] : memref<10240x16xf32, #tpu.memory_space<vmem_shared>> -> memref<10240x16xf32, #tpu.memory_space<vmem_shared>>
      tpu.enqueue_indirect_dma source(%arg25 : memref<128x16xf32, #tpu.memory_space<vmem>>) target(%dma_start3A_270 : memref<10240x16xf32, #tpu.memory_space<vmem_shared>>) offsets(%dma_start3A_267 : memref<128xi32, #tpu.memory_space<vmem>>) semaphore(%arg30 : memref<!tpu.dma_semaphore, #tpu.memory_space<semaphore_mem>>) {add = true}
      %mul3A_271 = arith.constant 4 : i32
      %mul3A_272 = arith.muli %scan3A_179, %mul3A_271 : i32
      %add3A_273 = arith.constant 4 : i32
      %add3A_274 = arith.addi %add3A_273, %mul3A_272 : i32
      %add3A_275 = arith.constant 2 : i32
      %add3A_276 = arith.addi %add3A_274, %add3A_275 : i32
      %dma_wait3A_277 = arith.constant 0 : i32
      %dma_wait3A_278 = arith.constant 0 : i32
      %dma_wait3A_279 = tpu.memref_slice %arg11[%dma_wait3A_277, %dma_wait3A_278] : memref<80x128xi32, #tpu.memory_space<vmem>> -> memref<1x128xi32, #tpu.memory_space<vmem>>
      %dma_wait3A_280 = tpu.memref_squeeze %dma_wait3A_279 : memref<1x128xi32, #tpu.memory_space<vmem>> -> memref<128xi32, #tpu.memory_space<vmem>>
      %dma_wait3A_281 = arith.constant 0 : i32
      %dma_wait3A_282 = arith.constant 0 : i32
      %dma_wait3A_283 = tpu.memref_slice %arg16[%dma_wait3A_281, %dma_wait3A_282] : memref<10240x32xf32, #tpu.memory_space<vmem_shared>> -> memref<10240x32xf32, #tpu.memory_space<vmem_shared>>
      tpu.wait_indirect_dma semaphore(%arg23 : memref<!tpu.dma_semaphore, #tpu.memory_space<semaphore_mem>>) src(%arg14 : memref<128x32xf32, #tpu.memory_space<vmem>>) dst(%dma_wait3A_283 : memref<10240x32xf32, #tpu.memory_space<vmem_shared>>)
      %dma_wait3A_284 = arith.constant 0 : i32
      %dma_wait3A_285 = arith.constant 0 : i32
      %dma_wait3A_286 = tpu.memref_slice %arg11[%dma_wait3A_284, %dma_wait3A_285] : memref<80x128xi32, #tpu.memory_space<vmem>> -> memref<1x128xi32, #tpu.memory_space<vmem>>
      %dma_wait3A_287 = tpu.memref_squeeze %dma_wait3A_286 : memref<1x128xi32, #tpu.memory_space<vmem>> -> memref<128xi32, #tpu.memory_space<vmem>>
      %dma_wait3A_288 = arith.constant 0 : i32
      %dma_wait3A_289 = arith.constant 0 : i32
      %dma_wait3A_290 = tpu.memref_slice %arg26[%dma_wait3A_288, %dma_wait3A_289] : memref<10240x16xf32, #tpu.memory_space<vmem_shared>> -> memref<10240x16xf32, #tpu.memory_space<vmem_shared>>
      tpu.wait_indirect_dma semaphore(%arg29 : memref<!tpu.dma_semaphore, #tpu.memory_space<semaphore_mem>>) src(%arg25 : memref<128x16xf32, #tpu.memory_space<vmem>>) dst(%dma_wait3A_290 : memref<10240x16xf32, #tpu.memory_space<vmem_shared>>)
      %dma_start3A_291 = arith.constant 0 : i32
      %dma_start3A_292 = tpu.memref_slice %arg10[%add3A_276, %dma_start3A_291] : memref<80x128xi32, #tpu.memory_space<vmem>> -> memref<1x128xi32, #tpu.memory_space<vmem>>
      %dma_start3A_293 = tpu.memref_squeeze %dma_start3A_292 : memref<1x128xi32, #tpu.memory_space<vmem>> -> memref<128xi32, #tpu.memory_space<vmem>>
      %dma_start3A_294 = arith.constant 0 : i32
      %dma_start3A_295 = arith.constant 0 : i32
      %dma_start3A_296 = tpu.memref_slice %arg2[%dma_start3A_294, %dma_start3A_295] : memref<10240x32xf32, #tpu.memory_space<hbm>> -> memref<10240x32xf32, #tpu.memory_space<hbm>>
      tpu.enqueue_indirect_dma source(%dma_start3A_296 : memref<10240x32xf32, #tpu.memory_space<hbm>>) target(%arg14 : memref<128x32xf32, #tpu.memory_space<vmem>>) offsets(%dma_start3A_293 : memref<128xi32, #tpu.memory_space<vmem>>) semaphore(%arg19 : memref<!tpu.dma_semaphore, #tpu.memory_space<semaphore_mem>>)
      %sub3A_297 = arith.constant 2 : i32
      %sub3A_298 = arith.subi %add3A_276, %sub3A_297 : i32
      %dma_wait3A_299 = arith.constant 0 : i32
      %dma_wait3A_300 = tpu.memref_slice %arg10[%sub3A_298, %dma_wait3A_299] : memref<80x128xi32, #tpu.memory_space<vmem>> -> memref<1x128xi32, #tpu.memory_space<vmem>>
      %dma_wait3A_301 = tpu.memref_squeeze %dma_wait3A_300 : memref<1x128xi32, #tpu.memory_space<vmem>> -> memref<128xi32, #tpu.memory_space<vmem>>
      %dma_wait3A_302 = arith.constant 0 : i32
      %dma_wait3A_303 = arith.constant 0 : i32
      %dma_wait3A_304 = tpu.memref_slice %arg2[%dma_wait3A_302, %dma_wait3A_303] : memref<10240x32xf32, #tpu.memory_space<hbm>> -> memref<10240x32xf32, #tpu.memory_space<hbm>>
      tpu.wait_indirect_dma semaphore(%arg17 : memref<!tpu.dma_semaphore, #tpu.memory_space<semaphore_mem>>) src(%dma_wait3A_304 : memref<10240x32xf32, #tpu.memory_space<hbm>>) dst(%arg12 : memref<128x32xf32, #tpu.memory_space<vmem>>)
      %dma_start3A_305 = arith.constant 0 : i32
      %dma_start3A_306 = tpu.memref_slice %arg11[%sub3A_298, %dma_start3A_305] : memref<80x128xi32, #tpu.memory_space<vmem>> -> memref<1x128xi32, #tpu.memory_space<vmem>>
      %dma_start3A_307 = tpu.memref_squeeze %dma_start3A_306 : memref<1x128xi32, #tpu.memory_space<vmem>> -> memref<128xi32, #tpu.memory_space<vmem>>
      %dma_start3A_308 = arith.constant 0 : i32
      %dma_start3A_309 = arith.constant 0 : i32
      %dma_start3A_310 = tpu.memref_slice %arg16[%dma_start3A_308, %dma_start3A_309] : memref<10240x32xf32, #tpu.memory_space<vmem_shared>> -> memref<10240x32xf32, #tpu.memory_space<vmem_shared>>
      tpu.enqueue_indirect_dma source(%arg12 : memref<128x32xf32, #tpu.memory_space<vmem>>) target(%dma_start3A_310 : memref<10240x32xf32, #tpu.memory_space<vmem_shared>>) offsets(%dma_start3A_307 : memref<128xi32, #tpu.memory_space<vmem>>) semaphore(%arg21 : memref<!tpu.dma_semaphore, #tpu.memory_space<semaphore_mem>>) {add = true}
      %dma_start3A_311 = arith.constant 0 : i32
      %dma_start3A_312 = tpu.memref_slice %arg11[%sub3A_298, %dma_start3A_311] : memref<80x128xi32, #tpu.memory_space<vmem>> -> memref<1x128xi32, #tpu.memory_space<vmem>>
      %dma_start3A_313 = tpu.memref_squeeze %dma_start3A_312 : memref<1x128xi32, #tpu.memory_space<vmem>> -> memref<128xi32, #tpu.memory_space<vmem>>
      %dma_start3A_314 = arith.constant 0 : i32
      %dma_start3A_315 = arith.constant 0 : i32
      %dma_start3A_316 = tpu.memref_slice %arg26[%dma_start3A_314, %dma_start3A_315] : memref<10240x16xf32, #tpu.memory_space<vmem_shared>> -> memref<10240x16xf32, #tpu.memory_space<vmem_shared>>
      tpu.enqueue_indirect_dma source(%arg25 : memref<128x16xf32, #tpu.memory_space<vmem>>) target(%dma_start3A_316 : memref<10240x16xf32, #tpu.memory_space<vmem_shared>>) offsets(%dma_start3A_313 : memref<128xi32, #tpu.memory_space<vmem>>) semaphore(%arg27 : memref<!tpu.dma_semaphore, #tpu.memory_space<semaphore_mem>>) {add = true}
      %mul3A_317 = arith.constant 4 : i32
      %mul3A_318 = arith.muli %scan3A_179, %mul3A_317 : i32
      %add3A_319 = arith.constant 4 : i32
      %add3A_320 = arith.addi %add3A_319, %mul3A_318 : i32
      %add3A_321 = arith.constant 3 : i32
      %add3A_322 = arith.addi %add3A_320, %add3A_321 : i32
      %dma_wait3A_323 = arith.constant 0 : i32
      %dma_wait3A_324 = arith.constant 0 : i32
      %dma_wait3A_325 = tpu.memref_slice %arg11[%dma_wait3A_323, %dma_wait3A_324] : memref<80x128xi32, #tpu.memory_space<vmem>> -> memref<1x128xi32, #tpu.memory_space<vmem>>
      %dma_wait3A_326 = tpu.memref_squeeze %dma_wait3A_325 : memref<1x128xi32, #tpu.memory_space<vmem>> -> memref<128xi32, #tpu.memory_space<vmem>>
      %dma_wait3A_327 = arith.constant 0 : i32
      %dma_wait3A_328 = arith.constant 0 : i32
      %dma_wait3A_329 = tpu.memref_slice %arg16[%dma_wait3A_327, %dma_wait3A_328] : memref<10240x32xf32, #tpu.memory_space<vmem_shared>> -> memref<10240x32xf32, #tpu.memory_space<vmem_shared>>
      tpu.wait_indirect_dma semaphore(%arg24 : memref<!tpu.dma_semaphore, #tpu.memory_space<semaphore_mem>>) src(%arg15 : memref<128x32xf32, #tpu.memory_space<vmem>>) dst(%dma_wait3A_329 : memref<10240x32xf32, #tpu.memory_space<vmem_shared>>)
      %dma_wait3A_330 = arith.constant 0 : i32
      %dma_wait3A_331 = arith.constant 0 : i32
      %dma_wait3A_332 = tpu.memref_slice %arg11[%dma_wait3A_330, %dma_wait3A_331] : memref<80x128xi32, #tpu.memory_space<vmem>> -> memref<1x128xi32, #tpu.memory_space<vmem>>
      %dma_wait3A_333 = tpu.memref_squeeze %dma_wait3A_332 : memref<1x128xi32, #tpu.memory_space<vmem>> -> memref<128xi32, #tpu.memory_space<vmem>>
      %dma_wait3A_334 = arith.constant 0 : i32
      %dma_wait3A_335 = arith.constant 0 : i32
      %dma_wait3A_336 = tpu.memref_slice %arg26[%dma_wait3A_334, %dma_wait3A_335] : memref<10240x16xf32, #tpu.memory_space<vmem_shared>> -> memref<10240x16xf32, #tpu.memory_space<vmem_shared>>
      tpu.wait_indirect_dma semaphore(%arg30 : memref<!tpu.dma_semaphore, #tpu.memory_space<semaphore_mem>>) src(%arg25 : memref<128x16xf32, #tpu.memory_space<vmem>>) dst(%dma_wait3A_336 : memref<10240x16xf32, #tpu.memory_space<vmem_shared>>)
      %dma_start3A_337 = arith.constant 0 : i32
      %dma_start3A_338 = tpu.memref_slice %arg10[%add3A_322, %dma_start3A_337] : memref<80x128xi32, #tpu.memory_space<vmem>> -> memref<1x128xi32, #tpu.memory_space<vmem>>
      %dma_start3A_339 = tpu.memref_squeeze %dma_start3A_338 : memref<1x128xi32, #tpu.memory_space<vmem>> -> memref<128xi32, #tpu.memory_space<vmem>>
      %dma_start3A_340 = arith.constant 0 : i32
      %dma_start3A_341 = arith.constant 0 : i32
      %dma_start3A_342 = tpu.memref_slice %arg2[%dma_start3A_340, %dma_start3A_341] : memref<10240x32xf32, #tpu.memory_space<hbm>> -> memref<10240x32xf32, #tpu.memory_space<hbm>>
      tpu.enqueue_indirect_dma source(%dma_start3A_342 : memref<10240x32xf32, #tpu.memory_space<hbm>>) target(%arg15 : memref<128x32xf32, #tpu.memory_space<vmem>>) offsets(%dma_start3A_339 : memref<128xi32, #tpu.memory_space<vmem>>) semaphore(%arg20 : memref<!tpu.dma_semaphore, #tpu.memory_space<semaphore_mem>>)
      %sub3A_343 = arith.constant 2 : i32
      %sub3A_344 = arith.subi %add3A_322, %sub3A_343 : i32
      %dma_wait3A_345 = arith.constant 0 : i32
      %dma_wait3A_346 = tpu.memref_slice %arg10[%sub3A_344, %dma_wait3A_345] : memref<80x128xi32, #tpu.memory_space<vmem>> -> memref<1x128xi32, #tpu.memory_space<vmem>>
      %dma_wait3A_347 = tpu.memref_squeeze %dma_wait3A_346 : memref<1x128xi32, #tpu.memory_space<vmem>> -> memref<128xi32, #tpu.memory_space<vmem>>
      %dma_wait3A_348 = arith.constant 0 : i32
      %dma_wait3A_349 = arith.constant 0 : i32
      %dma_wait3A_350 = tpu.memref_slice %arg2[%dma_wait3A_348, %dma_wait3A_349] : memref<10240x32xf32, #tpu.memory_space<hbm>> -> memref<10240x32xf32, #tpu.memory_space<hbm>>
      tpu.wait_indirect_dma semaphore(%arg18 : memref<!tpu.dma_semaphore, #tpu.memory_space<semaphore_mem>>) src(%dma_wait3A_350 : memref<10240x32xf32, #tpu.memory_space<hbm>>) dst(%arg13 : memref<128x32xf32, #tpu.memory_space<vmem>>)
      %dma_start3A_351 = arith.constant 0 : i32
      %dma_start3A_352 = tpu.memref_slice %arg11[%sub3A_344, %dma_start3A_351] : memref<80x128xi32, #tpu.memory_space<vmem>> -> memref<1x128xi32, #tpu.memory_space<vmem>>
      %dma_start3A_353 = tpu.memref_squeeze %dma_start3A_352 : memref<1x128xi32, #tpu.memory_space<vmem>> -> memref<128xi32, #tpu.memory_space<vmem>>
      %dma_start3A_354 = arith.constant 0 : i32
      %dma_start3A_355 = arith.constant 0 : i32
      %dma_start3A_356 = tpu.memref_slice %arg16[%dma_start3A_354, %dma_start3A_355] : memref<10240x32xf32, #tpu.memory_space<vmem_shared>> -> memref<10240x32xf32, #tpu.memory_space<vmem_shared>>
      tpu.enqueue_indirect_dma source(%arg13 : memref<128x32xf32, #tpu.memory_space<vmem>>) target(%dma_start3A_356 : memref<10240x32xf32, #tpu.memory_space<vmem_shared>>) offsets(%dma_start3A_353 : memref<128xi32, #tpu.memory_space<vmem>>) semaphore(%arg22 : memref<!tpu.dma_semaphore, #tpu.memory_space<semaphore_mem>>) {add = true}
      %dma_start3A_357 = arith.constant 0 : i32
      %dma_start3A_358 = tpu.memref_slice %arg11[%sub3A_344, %dma_start3A_357] : memref<80x128xi32, #tpu.memory_space<vmem>> -> memref<1x128xi32, #tpu.memory_space<vmem>>
      %dma_start3A_359 = tpu.memref_squeeze %dma_start3A_358 : memref<1x128xi32, #tpu.memory_space<vmem>> -> memref<128xi32, #tpu.memory_space<vmem>>
      %dma_start3A_360 = arith.constant 0 : i32
      %dma_start3A_361 = arith.constant 0 : i32
      %dma_start3A_362 = tpu.memref_slice %arg26[%dma_start3A_360, %dma_start3A_361] : memref<10240x16xf32, #tpu.memory_space<vmem_shared>> -> memref<10240x16xf32, #tpu.memory_space<vmem_shared>>
      tpu.enqueue_indirect_dma source(%arg25 : memref<128x16xf32, #tpu.memory_space<vmem>>) target(%dma_start3A_362 : memref<10240x16xf32, #tpu.memory_space<vmem_shared>>) offsets(%dma_start3A_359 : memref<128xi32, #tpu.memory_space<vmem>>) semaphore(%arg28 : memref<!tpu.dma_semaphore, #tpu.memory_space<semaphore_mem>>) {add = true}
    }
    %scan3A_77 = arith.constant 19 : i32
    %dma_wait3A_78 = arith.constant 78 : i32
    %dma_wait3A_79 = arith.constant 0 : i32
    %dma_wait3A_80 = tpu.memref_slice %arg10[%dma_wait3A_78, %dma_wait3A_79] : memref<80x128xi32, #tpu.memory_space<vmem>> -> memref<1x128xi32, #tpu.memory_space<vmem>>
    %dma_wait3A_81 = tpu.memref_squeeze %dma_wait3A_80 : memref<1x128xi32, #tpu.memory_space<vmem>> -> memref<128xi32, #tpu.memory_space<vmem>>
    %dma_wait3A_82 = arith.constant 0 : i32
    %dma_wait3A_83 = arith.constant 0 : i32
    %dma_wait3A_84 = tpu.memref_slice %arg2[%dma_wait3A_82, %dma_wait3A_83] : memref<10240x32xf32, #tpu.memory_space<hbm>> -> memref<10240x32xf32, #tpu.memory_space<hbm>>
    tpu.wait_indirect_dma semaphore(%arg19 : memref<!tpu.dma_semaphore, #tpu.memory_space<semaphore_mem>>) src(%dma_wait3A_84 : memref<10240x32xf32, #tpu.memory_space<hbm>>) dst(%arg14 : memref<128x32xf32, #tpu.memory_space<vmem>>)
    %dma_start3A_85 = arith.constant 78 : i32
    %dma_start3A_86 = arith.constant 0 : i32
    %dma_start3A_87 = tpu.memref_slice %arg11[%dma_start3A_85, %dma_start3A_86] : memref<80x128xi32, #tpu.memory_space<vmem>> -> memref<1x128xi32, #tpu.memory_space<vmem>>
    %dma_start3A_88 = tpu.memref_squeeze %dma_start3A_87 : memref<1x128xi32, #tpu.memory_space<vmem>> -> memref<128xi32, #tpu.memory_space<vmem>>
    %dma_start3A_89 = arith.constant 0 : i32
    %dma_start3A_90 = arith.constant 0 : i32
    %dma_start3A_91 = tpu.memref_slice %arg16[%dma_start3A_89, %dma_start3A_90] : memref<10240x32xf32, #tpu.memory_space<vmem_shared>> -> memref<10240x32xf32, #tpu.memory_space<vmem_shared>>
    tpu.enqueue_indirect_dma source(%arg14 : memref<128x32xf32, #tpu.memory_space<vmem>>) target(%dma_start3A_91 : memref<10240x32xf32, #tpu.memory_space<vmem_shared>>) offsets(%dma_start3A_88 : memref<128xi32, #tpu.memory_space<vmem>>) semaphore(%arg23 : memref<!tpu.dma_semaphore, #tpu.memory_space<semaphore_mem>>) {add = true}
    %dma_start3A_92 = arith.constant 78 : i32
    %dma_start3A_93 = arith.constant 0 : i32
    %dma_start3A_94 = tpu.memref_slice %arg11[%dma_start3A_92, %dma_start3A_93] : memref<80x128xi32, #tpu.memory_space<vmem>> -> memref<1x128xi32, #tpu.memory_space<vmem>>
    %dma_start3A_95 = tpu.memref_squeeze %dma_start3A_94 : memref<1x128xi32, #tpu.memory_space<vmem>> -> memref<128xi32, #tpu.memory_space<vmem>>
    %dma_start3A_96 = arith.constant 0 : i32
    %dma_start3A_97 = arith.constant 0 : i32
    %dma_start3A_98 = tpu.memref_slice %arg26[%dma_start3A_96, %dma_start3A_97] : memref<10240x16xf32, #tpu.memory_space<vmem_shared>> -> memref<10240x16xf32, #tpu.memory_space<vmem_shared>>
    tpu.enqueue_indirect_dma source(%arg25 : memref<128x16xf32, #tpu.memory_space<vmem>>) target(%dma_start3A_98 : memref<10240x16xf32, #tpu.memory_space<vmem_shared>>) offsets(%dma_start3A_95 : memref<128xi32, #tpu.memory_space<vmem>>) semaphore(%arg29 : memref<!tpu.dma_semaphore, #tpu.memory_space<semaphore_mem>>) {add = true}
    %dma_wait3A_99 = arith.constant 79 : i32
    %dma_wait3A_100 = arith.constant 0 : i32
    %dma_wait3A_101 = tpu.memref_slice %arg10[%dma_wait3A_99, %dma_wait3A_100] : memref<80x128xi32, #tpu.memory_space<vmem>> -> memref<1x128xi32, #tpu.memory_space<vmem>>
    %dma_wait3A_102 = tpu.memref_squeeze %dma_wait3A_101 : memref<1x128xi32, #tpu.memory_space<vmem>> -> memref<128xi32, #tpu.memory_space<vmem>>
    %dma_wait3A_103 = arith.constant 0 : i32
    %dma_wait3A_104 = arith.constant 0 : i32
    %dma_wait3A_105 = tpu.memref_slice %arg2[%dma_wait3A_103, %dma_wait3A_104] : memref<10240x32xf32, #tpu.memory_space<hbm>> -> memref<10240x32xf32, #tpu.memory_space<hbm>>
    tpu.wait_indirect_dma semaphore(%arg20 : memref<!tpu.dma_semaphore, #tpu.memory_space<semaphore_mem>>) src(%dma_wait3A_105 : memref<10240x32xf32, #tpu.memory_space<hbm>>) dst(%arg15 : memref<128x32xf32, #tpu.memory_space<vmem>>)
    %dma_start3A_106 = arith.constant 79 : i32
    %dma_start3A_107 = arith.constant 0 : i32
    %dma_start3A_108 = tpu.memref_slice %arg11[%dma_start3A_106, %dma_start3A_107] : memref<80x128xi32, #tpu.memory_space<vmem>> -> memref<1x128xi32, #tpu.memory_space<vmem>>
    %dma_start3A_109 = tpu.memref_squeeze %dma_start3A_108 : memref<1x128xi32, #tpu.memory_space<vmem>> -> memref<128xi32, #tpu.memory_space<vmem>>
    %dma_start3A_110 = arith.constant 0 : i32
    %dma_start3A_111 = arith.constant 0 : i32
    %dma_start3A_112 = tpu.memref_slice %arg16[%dma_start3A_110, %dma_start3A_111] : memref<10240x32xf32, #tpu.memory_space<vmem_shared>> -> memref<10240x32xf32, #tpu.memory_space<vmem_shared>>
    tpu.enqueue_indirect_dma source(%arg15 : memref<128x32xf32, #tpu.memory_space<vmem>>) target(%dma_start3A_112 : memref<10240x32xf32, #tpu.memory_space<vmem_shared>>) offsets(%dma_start3A_109 : memref<128xi32, #tpu.memory_space<vmem>>) semaphore(%arg24 : memref<!tpu.dma_semaphore, #tpu.memory_space<semaphore_mem>>) {add = true}
    %dma_start3A_113 = arith.constant 79 : i32
    %dma_start3A_114 = arith.constant 0 : i32
    %dma_start3A_115 = tpu.memref_slice %arg11[%dma_start3A_113, %dma_start3A_114] : memref<80x128xi32, #tpu.memory_space<vmem>> -> memref<1x128xi32, #tpu.memory_space<vmem>>
    %dma_start3A_116 = tpu.memref_squeeze %dma_start3A_115 : memref<1x128xi32, #tpu.memory_space<vmem>> -> memref<128xi32, #tpu.memory_space<vmem>>
    %dma_start3A_117 = arith.constant 0 : i32
    %dma_start3A_118 = arith.constant 0 : i32
    %dma_start3A_119 = tpu.memref_slice %arg26[%dma_start3A_117, %dma_start3A_118] : memref<10240x16xf32, #tpu.memory_space<vmem_shared>> -> memref<10240x16xf32, #tpu.memory_space<vmem_shared>>
    tpu.enqueue_indirect_dma source(%arg25 : memref<128x16xf32, #tpu.memory_space<vmem>>) target(%dma_start3A_119 : memref<10240x16xf32, #tpu.memory_space<vmem_shared>>) offsets(%dma_start3A_116 : memref<128xi32, #tpu.memory_space<vmem>>) semaphore(%arg30 : memref<!tpu.dma_semaphore, #tpu.memory_space<semaphore_mem>>) {add = true}
    %dma_wait3A_120 = arith.constant 0 : i32
    %dma_wait3A_121 = arith.constant 0 : i32
    %dma_wait3A_122 = tpu.memref_slice %arg11[%dma_wait3A_120, %dma_wait3A_121] : memref<80x128xi32, #tpu.memory_space<vmem>> -> memref<1x128xi32, #tpu.memory_space<vmem>>
    %dma_wait3A_123 = tpu.memref_squeeze %dma_wait3A_122 : memref<1x128xi32, #tpu.memory_space<vmem>> -> memref<128xi32, #tpu.memory_space<vmem>>
    %dma_wait3A_124 = arith.constant 0 : i32
    %dma_wait3A_125 = arith.constant 0 : i32
    %dma_wait3A_126 = tpu.memref_slice %arg16[%dma_wait3A_124, %dma_wait3A_125] : memref<10240x32xf32, #tpu.memory_space<vmem_shared>> -> memref<10240x32xf32, #tpu.memory_space<vmem_shared>>
    tpu.wait_indirect_dma semaphore(%arg21 : memref<!tpu.dma_semaphore, #tpu.memory_space<semaphore_mem>>) src(%arg12 : memref<128x32xf32, #tpu.memory_space<vmem>>) dst(%dma_wait3A_126 : memref<10240x32xf32, #tpu.memory_space<vmem_shared>>)
    %dma_wait3A_127 = arith.constant 0 : i32
    %dma_wait3A_128 = arith.constant 0 : i32
    %dma_wait3A_129 = tpu.memref_slice %arg11[%dma_wait3A_127, %dma_wait3A_128] : memref<80x128xi32, #tpu.memory_space<vmem>> -> memref<1x128xi32, #tpu.memory_space<vmem>>
    %dma_wait3A_130 = tpu.memref_squeeze %dma_wait3A_129 : memref<1x128xi32, #tpu.memory_space<vmem>> -> memref<128xi32, #tpu.memory_space<vmem>>
    %dma_wait3A_131 = arith.constant 0 : i32
    %dma_wait3A_132 = arith.constant 0 : i32
    %dma_wait3A_133 = tpu.memref_slice %arg26[%dma_wait3A_131, %dma_wait3A_132] : memref<10240x16xf32, #tpu.memory_space<vmem_shared>> -> memref<10240x16xf32, #tpu.memory_space<vmem_shared>>
    tpu.wait_indirect_dma semaphore(%arg27 : memref<!tpu.dma_semaphore, #tpu.memory_space<semaphore_mem>>) src(%arg25 : memref<128x16xf32, #tpu.memory_space<vmem>>) dst(%dma_wait3A_133 : memref<10240x16xf32, #tpu.memory_space<vmem_shared>>)
    %dma_wait3A_134 = arith.constant 0 : i32
    %dma_wait3A_135 = arith.constant 0 : i32
    %dma_wait3A_136 = tpu.memref_slice %arg11[%dma_wait3A_134, %dma_wait3A_135] : memref<80x128xi32, #tpu.memory_space<vmem>> -> memref<1x128xi32, #tpu.memory_space<vmem>>
    %dma_wait3A_137 = tpu.memref_squeeze %dma_wait3A_136 : memref<1x128xi32, #tpu.memory_space<vmem>> -> memref<128xi32, #tpu.memory_space<vmem>>
    %dma_wait3A_138 = arith.constant 0 : i32
    %dma_wait3A_139 = arith.constant 0 : i32
    %dma_wait3A_140 = tpu.memref_slice %arg16[%dma_wait3A_138, %dma_wait3A_139] : memref<10240x32xf32, #tpu.memory_space<vmem_shared>> -> memref<10240x32xf32, #tpu.memory_space<vmem_shared>>
    tpu.wait_indirect_dma semaphore(%arg22 : memref<!tpu.dma_semaphore, #tpu.memory_space<semaphore_mem>>) src(%arg13 : memref<128x32xf32, #tpu.memory_space<vmem>>) dst(%dma_wait3A_140 : memref<10240x32xf32, #tpu.memory_space<vmem_shared>>)
    %dma_wait3A_141 = arith.constant 0 : i32
    %dma_wait3A_142 = arith.constant 0 : i32
    %dma_wait3A_143 = tpu.memref_slice %arg11[%dma_wait3A_141, %dma_wait3A_142] : memref<80x128xi32, #tpu.memory_space<vmem>> -> memref<1x128xi32, #tpu.memory_space<vmem>>
    %dma_wait3A_144 = tpu.memref_squeeze %dma_wait3A_143 : memref<1x128xi32, #tpu.memory_space<vmem>> -> memref<128xi32, #tpu.memory_space<vmem>>
    %dma_wait3A_145 = arith.constant 0 : i32
    %dma_wait3A_146 = arith.constant 0 : i32
    %dma_wait3A_147 = tpu.memref_slice %arg26[%dma_wait3A_145, %dma_wait3A_146] : memref<10240x16xf32, #tpu.memory_space<vmem_shared>> -> memref<10240x16xf32, #tpu.memory_space<vmem_shared>>
    tpu.wait_indirect_dma semaphore(%arg28 : memref<!tpu.dma_semaphore, #tpu.memory_space<semaphore_mem>>) src(%arg25 : memref<128x16xf32, #tpu.memory_space<vmem>>) dst(%dma_wait3A_147 : memref<10240x16xf32, #tpu.memory_space<vmem_shared>>)
    %dma_wait3A_148 = arith.constant 0 : i32
    %dma_wait3A_149 = arith.constant 0 : i32
    %dma_wait3A_150 = tpu.memref_slice %arg11[%dma_wait3A_148, %dma_wait3A_149] : memref<80x128xi32, #tpu.memory_space<vmem>> -> memref<1x128xi32, #tpu.memory_space<vmem>>
    %dma_wait3A_151 = tpu.memref_squeeze %dma_wait3A_150 : memref<1x128xi32, #tpu.memory_space<vmem>> -> memref<128xi32, #tpu.memory_space<vmem>>
    %dma_wait3A_152 = arith.constant 0 : i32
    %dma_wait3A_153 = arith.constant 0 : i32
    %dma_wait3A_154 = tpu.memref_slice %arg16[%dma_wait3A_152, %dma_wait3A_153] : memref<10240x32xf32, #tpu.memory_space<vmem_shared>> -> memref<10240x32xf32, #tpu.memory_space<vmem_shared>>
    tpu.wait_indirect_dma semaphore(%arg23 : memref<!tpu.dma_semaphore, #tpu.memory_space<semaphore_mem>>) src(%arg14 : memref<128x32xf32, #tpu.memory_space<vmem>>) dst(%dma_wait3A_154 : memref<10240x32xf32, #tpu.memory_space<vmem_shared>>)
    %dma_wait3A_155 = arith.constant 0 : i32
    %dma_wait3A_156 = arith.constant 0 : i32
    %dma_wait3A_157 = tpu.memref_slice %arg11[%dma_wait3A_155, %dma_wait3A_156] : memref<80x128xi32, #tpu.memory_space<vmem>> -> memref<1x128xi32, #tpu.memory_space<vmem>>
    %dma_wait3A_158 = tpu.memref_squeeze %dma_wait3A_157 : memref<1x128xi32, #tpu.memory_space<vmem>> -> memref<128xi32, #tpu.memory_space<vmem>>
    %dma_wait3A_159 = arith.constant 0 : i32
    %dma_wait3A_160 = arith.constant 0 : i32
    %dma_wait3A_161 = tpu.memref_slice %arg26[%dma_wait3A_159, %dma_wait3A_160] : memref<10240x16xf32, #tpu.memory_space<vmem_shared>> -> memref<10240x16xf32, #tpu.memory_space<vmem_shared>>
    tpu.wait_indirect_dma semaphore(%arg29 : memref<!tpu.dma_semaphore, #tpu.memory_space<semaphore_mem>>) src(%arg25 : memref<128x16xf32, #tpu.memory_space<vmem>>) dst(%dma_wait3A_161 : memref<10240x16xf32, #tpu.memory_space<vmem_shared>>)
    %dma_wait3A_162 = arith.constant 0 : i32
    %dma_wait3A_163 = arith.constant 0 : i32
    %dma_wait3A_164 = tpu.memref_slice %arg11[%dma_wait3A_162, %dma_wait3A_163] : memref<80x128xi32, #tpu.memory_space<vmem>> -> memref<1x128xi32, #tpu.memory_space<vmem>>
    %dma_wait3A_165 = tpu.memref_squeeze %dma_wait3A_164 : memref<1x128xi32, #tpu.memory_space<vmem>> -> memref<128xi32, #tpu.memory_space<vmem>>
    %dma_wait3A_166 = arith.constant 0 : i32
    %dma_wait3A_167 = arith.constant 0 : i32
    %dma_wait3A_168 = tpu.memref_slice %arg16[%dma_wait3A_166, %dma_wait3A_167] : memref<10240x32xf32, #tpu.memory_space<vmem_shared>> -> memref<10240x32xf32, #tpu.memory_space<vmem_shared>>
    tpu.wait_indirect_dma semaphore(%arg24 : memref<!tpu.dma_semaphore, #tpu.memory_space<semaphore_mem>>) src(%arg15 : memref<128x32xf32, #tpu.memory_space<vmem>>) dst(%dma_wait3A_168 : memref<10240x32xf32, #tpu.memory_space<vmem_shared>>)
    %dma_wait3A_169 = arith.constant 0 : i32
    %dma_wait3A_170 = arith.constant 0 : i32
    %dma_wait3A_171 = tpu.memref_slice %arg11[%dma_wait3A_169, %dma_wait3A_170] : memref<80x128xi32, #tpu.memory_space<vmem>> -> memref<1x128xi32, #tpu.memory_space<vmem>>
    %dma_wait3A_172 = tpu.memref_squeeze %dma_wait3A_171 : memref<1x128xi32, #tpu.memory_space<vmem>> -> memref<128xi32, #tpu.memory_space<vmem>>
    %dma_wait3A_173 = arith.constant 0 : i32
    %dma_wait3A_174 = arith.constant 0 : i32
    %dma_wait3A_175 = tpu.memref_slice %arg26[%dma_wait3A_173, %dma_wait3A_174] : memref<10240x16xf32, #tpu.memory_space<vmem_shared>> -> memref<10240x16xf32, #tpu.memory_space<vmem_shared>>
    tpu.wait_indirect_dma semaphore(%arg30 : memref<!tpu.dma_semaphore, #tpu.memory_space<semaphore_mem>>) src(%arg25 : memref<128x16xf32, #tpu.memory_space<vmem>>) dst(%dma_wait3A_175 : memref<10240x16xf32, #tpu.memory_space<vmem_shared>>)
    %barrier3A_176 = arith.constant 0 : index
    tpu.barrier barrier_id(%barrier3A_176)
    %mul3A_177 = arith.constant 640 : i32
    %mul3A_178 = arith.muli %arg1, %mul3A_177 : i32
    "tpu.region"() ({
      %run_scoped3A = tpu.sem_alloc : memref<!tpu.dma_semaphore, #tpu.memory_space<semaphore_mem>>
      %dma_start3A_179 = arith.constant 0 : i32
      %dma_start3A_180 = tpu.memref_slice %arg8[%arg0, %mul3A_178, %dma_start3A_179] : memref<2x10240x32xf32, #tpu.memory_space<hbm>> -> memref<1x640x32xf32, #tpu.memory_space<hbm>>
      %dma_start3A_181 = tpu.memref_squeeze %dma_start3A_180 : memref<1x640x32xf32, #tpu.memory_space<hbm>> -> memref<640x32xf32, #tpu.memory_space<hbm>>
      %dma_start3A_182 = arith.constant 0 : i32
      %dma_start3A_183 = tpu.memref_slice %arg16[%mul3A_178, %dma_start3A_182] : memref<10240x32xf32, #tpu.memory_space<vmem_shared>> -> memref<640x32xf32, #tpu.memory_space<vmem_shared>>
      tpu.enqueue_dma source(%dma_start3A_183 : memref<640x32xf32, #tpu.memory_space<vmem_shared>>) target(%dma_start3A_181 : memref<640x32xf32, #tpu.memory_space<hbm>>) target_semaphore(%run_scoped3A : memref<!tpu.dma_semaphore, #tpu.memory_space<semaphore_mem>>)
      %dma_wait3A_184 = arith.constant 0 : i32
      %dma_wait3A_185 = tpu.memref_slice %arg8[%arg0, %mul3A_178, %dma_wait3A_184] : memref<2x10240x32xf32, #tpu.memory_space<hbm>> -> memref<1x640x32xf32, #tpu.memory_space<hbm>>
      %dma_wait3A_186 = tpu.memref_squeeze %dma_wait3A_185 : memref<1x640x32xf32, #tpu.memory_space<hbm>> -> memref<640x32xf32, #tpu.memory_space<hbm>>
      %dma_wait3A_187 = arith.constant 0 : i32
      %dma_wait3A_188 = tpu.memref_slice %arg16[%mul3A_178, %dma_wait3A_187] : memref<10240x32xf32, #tpu.memory_space<vmem_shared>> -> memref<640x32xf32, #tpu.memory_space<vmem_shared>>
      tpu.wait_dma2 semaphore(%run_scoped3A : memref<!tpu.dma_semaphore, #tpu.memory_space<semaphore_mem>>) src(%dma_wait3A_188 : memref<640x32xf32, #tpu.memory_space<vmem_shared>>) dst(%dma_wait3A_186 : memref<640x32xf32, #tpu.memory_space<hbm>>)
      tpu.yield
    }) : () -> ()
    "tpu.region"() ({
      %run_scoped3A = tpu.sem_alloc : memref<!tpu.dma_semaphore, #tpu.memory_space<semaphore_mem>>
      %dma_start3A_179 = arith.constant 0 : i32
      %dma_start3A_180 = tpu.memref_slice %arg9[%arg0, %mul3A_178, %dma_start3A_179] : memref<2x10240x16xf32, #tpu.memory_space<hbm>> -> memref<1x640x16xf32, #tpu.memory_space<hbm>>
      %dma_start3A_181 = tpu.memref_squeeze %dma_start3A_180 : memref<1x640x16xf32, #tpu.memory_space<hbm>> -> memref<640x16xf32, #tpu.memory_space<hbm>>
      %dma_start3A_182 = arith.constant 0 : i32
      %dma_start3A_183 = tpu.memref_slice %arg26[%mul3A_178, %dma_start3A_182] : memref<10240x16xf32, #tpu.memory_space<vmem_shared>> -> memref<640x16xf32, #tpu.memory_space<vmem_shared>>
      tpu.enqueue_dma source(%dma_start3A_183 : memref<640x16xf32, #tpu.memory_space<vmem_shared>>) target(%dma_start3A_181 : memref<640x16xf32, #tpu.memory_space<hbm>>) target_semaphore(%run_scoped3A : memref<!tpu.dma_semaphore, #tpu.memory_space<semaphore_mem>>)
      %dma_wait3A_184 = arith.constant 0 : i32
      %dma_wait3A_185 = tpu.memref_slice %arg9[%arg0, %mul3A_178, %dma_wait3A_184] : memref<2x10240x16xf32, #tpu.memory_space<hbm>> -> memref<1x640x16xf32, #tpu.memory_space<hbm>>
      %dma_wait3A_186 = tpu.memref_squeeze %dma_wait3A_185 : memref<1x640x16xf32, #tpu.memory_space<hbm>> -> memref<640x16xf32, #tpu.memory_space<hbm>>
      %dma_wait3A_187 = arith.constant 0 : i32
      %dma_wait3A_188 = tpu.memref_slice %arg26[%mul3A_178, %dma_wait3A_187] : memref<10240x16xf32, #tpu.memory_space<vmem_shared>> -> memref<640x16xf32, #tpu.memory_space<vmem_shared>>
      tpu.wait_dma2 semaphore(%run_scoped3A : memref<!tpu.dma_semaphore, #tpu.memory_space<semaphore_mem>>) src(%dma_wait3A_188 : memref<640x16xf32, #tpu.memory_space<vmem_shared>>) dst(%dma_wait3A_186 : memref<640x16xf32, #tpu.memory_space<hbm>>)
      tpu.yield
    }) : () -> ()
    return
  }
}

module attributes {stable_mosaic.version = 14 : i64} {
  func.func @body(%arg0: i32, %arg1: memref<1024x128xf32, #tpu.memory_space<vmem>>, %arg2: memref<32x128xf32, #tpu.memory_space<vmem>>, %arg3: memref<32x128xf32, #tpu.memory_space<vmem>>, %arg4: memref<1x32xf32, #tpu.memory_space<vmem>>, %arg5: memref<1024x32xf32, #tpu.memory_space<vmem>>, %arg6: memref<1024x32xf32, #tpu.memory_space<vmem>>) attributes {dimension_semantics = [#tpu.dimension_semantics<arbitrary>], iteration_bounds = array<i64: 10>, scalar_prefetch = 0 : i64, scratch_operands = 0 : i64, tpu.core_type = #tpu.core_type<tc>, window_params = [{transform_indices = @transform_0, window_bounds = array<i64: 1024, 128>}, {pipeline_mode = #tpu.pipeline_mode<synchronous>, transform_indices = @transform_1, window_bounds = array<i64: 32, 128>}, {pipeline_mode = #tpu.pipeline_mode<synchronous>, transform_indices = @transform_2, window_bounds = array<i64: 32, 128>}, {pipeline_mode = #tpu.pipeline_mode<synchronous>, transform_indices = @transform_3, window_bounds = array<i64: 1, 32>}, {transform_indices = @transform_4, window_bounds = array<i64: 1024, 32>}, {transform_indices = @transform_5, window_bounds = array<i64: 1024, 32>}]} {
    %get3A = arith.constant 0 : index
    %get3A_0 = arith.constant 0 : index
    %get3A_1 = vector.load %arg1[%get3A, %get3A_0] : memref<1024x128xf32, #tpu.memory_space<vmem>>, vector<1024x128xf32>
    %get3A_2 = arith.constant 0 : index
    %get3A_3 = arith.constant 0 : index
    %get3A_4 = vector.load %arg2[%get3A_2, %get3A_3] : memref<32x128xf32, #tpu.memory_space<vmem>>, vector<32x128xf32>
    %dot_general3A = arith.constant dense<0.000000e+00> : vector<1024x32xf32>
    %dot_general3A_5 = tpu.matmul %get3A_1, %get3A_4, %dot_general3A {dimension_numbers = #tpu.dot_dimension_numbers<[1], [1], [0], [0], [0, 0, 1, 0], [], []>, transpose_lhs_hint = false} : vector<1024x128xf32>, vector<32x128xf32>, vector<1024x32xf32> -> vector<1024x32xf32>
    %swap3A = arith.constant 0 : index
    %swap3A_6 = arith.constant 0 : index
    %swap3A_7 = vector.load %arg5[%swap3A, %swap3A_6] : memref<1024x32xf32, #tpu.memory_space<vmem>>, vector<1024x32xf32>
    tpu.vector_store %arg5[%swap3A, %swap3A_6], %dot_general3A_5 {strides = array<i32>} : memref<1024x32xf32, #tpu.memory_space<vmem>>, vector<1024x32xf32>,
    %get3A_8 = arith.constant 0 : index
    %get3A_9 = arith.constant 0 : index
    %get3A_10 = vector.load %arg3[%get3A_8, %get3A_9] : memref<32x128xf32, #tpu.memory_space<vmem>>, vector<32x128xf32>
    %dot_general3A_11 = arith.constant dense<0.000000e+00> : vector<1024x32xf32>
    %dot_general3A_12 = tpu.matmul %get3A_1, %get3A_10, %dot_general3A_11 {dimension_numbers = #tpu.dot_dimension_numbers<[1], [1], [0], [0], [0, 0, 1, 0], [], []>, transpose_lhs_hint = false} : vector<1024x128xf32>, vector<32x128xf32>, vector<1024x32xf32> -> vector<1024x32xf32>
    %get3A_13 = arith.constant 0 : index
    %get3A_14 = arith.constant 0 : index
    %get3A_15 = vector.load %arg4[%get3A_13, %get3A_14] : memref<1x32xf32, #tpu.memory_space<vmem>>, vector<1x32xf32>
    %add3A = vector.broadcast %get3A_15 : vector<1x32xf32> to vector<1024x32xf32>
    %add3A_16 = arith.addf %dot_general3A_12, %add3A : vector<1024x32xf32>
    %swap3A_17 = arith.constant 0 : index
    %swap3A_18 = arith.constant 0 : index
    %swap3A_19 = vector.load %arg6[%swap3A_17, %swap3A_18] : memref<1024x32xf32, #tpu.memory_space<vmem>>, vector<1024x32xf32>
    tpu.vector_store %arg6[%swap3A_17, %swap3A_18], %add3A_16 {strides = array<i32>} : memref<1024x32xf32, #tpu.memory_space<vmem>>, vector<1024x32xf32>,
    return
  }
  func.func @transform_0(%arg0: i32) -> (i32, i32) {
    %c0_i32 = arith.constant 0 : i32
    %c0_i32_0 = arith.constant 0 : i32
    return %arg0, %c0_i32 : i32, i32
  }
  func.func @transform_1(%arg0: i32) -> (i32, i32) {
    %c0_i32 = arith.constant 0 : i32
    %c0_i32_0 = arith.constant 0 : i32
    %c0_i32_1 = arith.constant 0 : i32
    return %c0_i32, %c0_i32_0 : i32, i32
  }
  func.func @transform_2(%arg0: i32) -> (i32, i32) {
    %c0_i32 = arith.constant 0 : i32
    %c0_i32_0 = arith.constant 0 : i32
    %c0_i32_1 = arith.constant 0 : i32
    return %c0_i32, %c0_i32_0 : i32, i32
  }
  func.func @transform_3(%arg0: i32) -> (i32, i32) {
    %c0_i32 = arith.constant 0 : i32
    %c0_i32_0 = arith.constant 0 : i32
    %c0_i32_1 = arith.constant 0 : i32
    return %c0_i32, %c0_i32_0 : i32, i32
  }
  func.func @transform_4(%arg0: i32) -> (i32, i32) {
    %c0_i32 = arith.constant 0 : i32
    %c0_i32_0 = arith.constant 0 : i32
    return %arg0, %c0_i32 : i32, i32
  }
  func.func @transform_5(%arg0: i32) -> (i32, i32) {
    %c0_i32 = arith.constant 0 : i32
    %c0_i32_0 = arith.constant 0 : i32
    return %arg0, %c0_i32 : i32, i32
  }
}

module attributes {stable_mosaic.version = 14 : i64} {
  func.func @body(%arg0: i32, %arg1: memref<2x1024x32xf32, #tpu.memory_space<vmem>>, %arg2: memref<2x1024x16xf32, #tpu.memory_space<vmem>>, %arg3: memref<1024x32xf32, #tpu.memory_space<vmem>>, %arg4: memref<32x32xf32, #tpu.memory_space<vmem>>, %arg5: memref<32x32xf32, #tpu.memory_space<vmem>>, %arg6: memref<1x32xf32, #tpu.memory_space<vmem>>, %arg7: memref<1024x32xf32, #tpu.memory_space<vmem>>, %arg8: memref<1024x32xf32, #tpu.memory_space<vmem>>) attributes {dimension_semantics = [#tpu.dimension_semantics<arbitrary>], iteration_bounds = array<i64: 10>, scalar_prefetch = 0 : i64, scratch_operands = 0 : i64, tpu.core_type = #tpu.core_type<tc>, window_params = [{transform_indices = @transform_0, window_bounds = array<i64: 2, 1024, 32>}, {transform_indices = @transform_1, window_bounds = array<i64: 2, 1024, 16>}, {transform_indices = @transform_2, window_bounds = array<i64: 1024, 32>}, {pipeline_mode = #tpu.pipeline_mode<synchronous>, transform_indices = @transform_3, window_bounds = array<i64: 32, 32>}, {pipeline_mode = #tpu.pipeline_mode<synchronous>, transform_indices = @transform_4, window_bounds = array<i64: 32, 32>}, {pipeline_mode = #tpu.pipeline_mode<synchronous>, transform_indices = @transform_5, window_bounds = array<i64: 1, 32>}, {transform_indices = @transform_6, window_bounds = array<i64: 1024, 32>}, {transform_indices = @transform_7, window_bounds = array<i64: 1024, 32>}]} {
    %get3A = arith.constant 0 : index
    %get3A_0 = arith.constant 0 : index
    %get3A_1 = arith.constant 0 : index
    %get3A_2 = vector.load %arg1[%get3A, %get3A_0, %get3A_1] : memref<2x1024x32xf32, #tpu.memory_space<vmem>>, vector<1x1024x32xf32>
    %get3A_3 = vector.shape_cast %get3A_2 : vector<1x1024x32xf32> to vector<1024x32xf32>
    %get3A_4 = arith.constant 1 : index
    %get3A_5 = arith.constant 0 : index
    %get3A_6 = arith.constant 0 : index
    %get3A_7 = vector.load %arg1[%get3A_4, %get3A_5, %get3A_6] : memref<2x1024x32xf32, #tpu.memory_space<vmem>>, vector<1x1024x32xf32>
    %get3A_8 = vector.shape_cast %get3A_7 : vector<1x1024x32xf32> to vector<1024x32xf32>
    %add3A = arith.addf %get3A_3, %get3A_8 : vector<1024x32xf32>
    %get3A_9 = arith.constant 0 : index
    %get3A_10 = arith.constant 0 : index
    %get3A_11 = arith.constant 0 : index
    %get3A_12 = vector.load %arg2[%get3A_9, %get3A_10, %get3A_11] : memref<2x1024x16xf32, #tpu.memory_space<vmem>>, vector<1x1024x16xf32>
    %get3A_13 = vector.shape_cast %get3A_12 : vector<1x1024x16xf32> to vector<1024x16xf32>
    %get3A_14 = arith.constant 1 : index
    %get3A_15 = arith.constant 0 : index
    %get3A_16 = arith.constant 0 : index
    %get3A_17 = vector.load %arg2[%get3A_14, %get3A_15, %get3A_16] : memref<2x1024x16xf32, #tpu.memory_space<vmem>>, vector<1x1024x16xf32>
    %get3A_18 = vector.shape_cast %get3A_17 : vector<1x1024x16xf32> to vector<1024x16xf32>
    %add3A_19 = arith.addf %get3A_13, %get3A_18 : vector<1024x16xf32>
    %slice3A = vector.extract_strided_slice %add3A_19 {offsets = [0, 0], sizes = [1024, 1], strides = [1, 1]} : vector<1024x16xf32> to vector<1024x1xf32>
    %max3A = arith.constant 1.000000e+00 : f32
    %max3A_20 = vector.broadcast %max3A : f32 to vector<1024x1xf32>
    %max3A_21 = arith.maximumf %slice3A, %max3A_20 : vector<1024x1xf32>
    %div3A = vector.broadcast %max3A_21 : vector<1024x1xf32> to vector<1024x32xf32>
    %div3A_22 = arith.divf %add3A, %div3A : vector<1024x32xf32>
    %get3A_23 = arith.constant 0 : index
    %get3A_24 = arith.constant 0 : index
    %get3A_25 = vector.load %arg3[%get3A_23, %get3A_24] : memref<1024x32xf32, #tpu.memory_space<vmem>>, vector<1024x32xf32>
    %add3A_26 = arith.addf %div3A_22, %get3A_25 : vector<1024x32xf32>
    %max3A_27 = arith.constant 0.000000e+00 : f32
    %max3A_28 = vector.broadcast %max3A_27 : f32 to vector<1024x32xf32>
    %max3A_29 = arith.maximumf %add3A_26, %max3A_28 : vector<1024x32xf32>
    %get3A_30 = arith.constant 0 : index
    %get3A_31 = arith.constant 0 : index
    %get3A_32 = vector.load %arg4[%get3A_30, %get3A_31] : memref<32x32xf32, #tpu.memory_space<vmem>>, vector<32x32xf32>
    %dot_general3A = arith.constant dense<0.000000e+00> : vector<1024x32xf32>
    %dot_general3A_33 = tpu.matmul %max3A_29, %get3A_32, %dot_general3A {dimension_numbers = #tpu.dot_dimension_numbers<[1], [1], [0], [0], [0, 0, 1, 0], [], []>, transpose_lhs_hint = false} : vector<1024x32xf32>, vector<32x32xf32>, vector<1024x32xf32> -> vector<1024x32xf32>
    %swap3A = arith.constant 0 : index
    %swap3A_34 = arith.constant 0 : index
    %swap3A_35 = vector.load %arg7[%swap3A, %swap3A_34] : memref<1024x32xf32, #tpu.memory_space<vmem>>, vector<1024x32xf32>
    tpu.vector_store %arg7[%swap3A, %swap3A_34], %dot_general3A_33 {strides = array<i32>} : memref<1024x32xf32, #tpu.memory_space<vmem>>, vector<1024x32xf32>,
    %get3A_36 = arith.constant 0 : index
    %get3A_37 = arith.constant 0 : index
    %get3A_38 = vector.load %arg5[%get3A_36, %get3A_37] : memref<32x32xf32, #tpu.memory_space<vmem>>, vector<32x32xf32>
    %dot_general3A_39 = arith.constant dense<0.000000e+00> : vector<1024x32xf32>
    %dot_general3A_40 = tpu.matmul %max3A_29, %get3A_38, %dot_general3A_39 {dimension_numbers = #tpu.dot_dimension_numbers<[1], [1], [0], [0], [0, 0, 1, 0], [], []>, transpose_lhs_hint = false} : vector<1024x32xf32>, vector<32x32xf32>, vector<1024x32xf32> -> vector<1024x32xf32>
    %get3A_41 = arith.constant 0 : index
    %get3A_42 = arith.constant 0 : index
    %get3A_43 = vector.load %arg6[%get3A_41, %get3A_42] : memref<1x32xf32, #tpu.memory_space<vmem>>, vector<1x32xf32>
    %add3A_44 = vector.broadcast %get3A_43 : vector<1x32xf32> to vector<1024x32xf32>
    %add3A_45 = arith.addf %dot_general3A_40, %add3A_44 : vector<1024x32xf32>
    %swap3A_46 = arith.constant 0 : index
    %swap3A_47 = arith.constant 0 : index
    %swap3A_48 = vector.load %arg8[%swap3A_46, %swap3A_47] : memref<1024x32xf32, #tpu.memory_space<vmem>>, vector<1024x32xf32>
    tpu.vector_store %arg8[%swap3A_46, %swap3A_47], %add3A_45 {strides = array<i32>} : memref<1024x32xf32, #tpu.memory_space<vmem>>, vector<1024x32xf32>,
    return
  }
  func.func @transform_0(%arg0: i32) -> (i32, i32, i32) {
    %c0_i32 = arith.constant 0 : i32
    %c0_i32_0 = arith.constant 0 : i32
    %c0_i32_1 = arith.constant 0 : i32
    return %c0_i32, %arg0, %c0_i32_0 : i32, i32, i32
  }
  func.func @transform_1(%arg0: i32) -> (i32, i32, i32) {
    %c0_i32 = arith.constant 0 : i32
    %c0_i32_0 = arith.constant 0 : i32
    %c0_i32_1 = arith.constant 0 : i32
    return %c0_i32, %arg0, %c0_i32_0 : i32, i32, i32
  }
  func.func @transform_2(%arg0: i32) -> (i32, i32) {
    %c0_i32 = arith.constant 0 : i32
    %c0_i32_0 = arith.constant 0 : i32
    return %arg0, %c0_i32 : i32, i32
  }
  func.func @transform_3(%arg0: i32) -> (i32, i32) {
    %c0_i32 = arith.constant 0 : i32
    %c0_i32_0 = arith.constant 0 : i32
    %c0_i32_1 = arith.constant 0 : i32
    return %c0_i32, %c0_i32_0 : i32, i32
  }
  func.func @transform_4(%arg0: i32) -> (i32, i32) {
    %c0_i32 = arith.constant 0 : i32
    %c0_i32_0 = arith.constant 0 : i32
    %c0_i32_1 = arith.constant 0 : i32
    return %c0_i32, %c0_i32_0 : i32, i32
  }
  func.func @transform_5(%arg0: i32) -> (i32, i32) {
    %c0_i32 = arith.constant 0 : i32
    %c0_i32_0 = arith.constant 0 : i32
    %c0_i32_1 = arith.constant 0 : i32
    return %c0_i32, %c0_i32_0 : i32, i32
  }
  func.func @transform_6(%arg0: i32) -> (i32, i32) {
    %c0_i32 = arith.constant 0 : i32
    %c0_i32_0 = arith.constant 0 : i32
    return %arg0, %c0_i32 : i32, i32
  }
  func.func @transform_7(%arg0: i32) -> (i32, i32) {
    %c0_i32 = arith.constant 0 : i32
    %c0_i32_0 = arith.constant 0 : i32
    return %arg0, %c0_i32 : i32, i32
  }
}

module attributes {stable_mosaic.version = 14 : i64} {
  func.func @body(%arg0: i32, %arg1: memref<2x1024x32xf32, #tpu.memory_space<vmem>>, %arg2: memref<2x1024x16xf32, #tpu.memory_space<vmem>>, %arg3: memref<1024x32xf32, #tpu.memory_space<vmem>>, %arg4: memref<3x32xf32, #tpu.memory_space<vmem>>, %arg5: memref<1x3xf32, #tpu.memory_space<vmem>>, %arg6: memref<1024x3xf32, #tpu.memory_space<vmem>>) attributes {dimension_semantics = [#tpu.dimension_semantics<arbitrary>], iteration_bounds = array<i64: 10>, scalar_prefetch = 0 : i64, scratch_operands = 0 : i64, tpu.core_type = #tpu.core_type<tc>, window_params = [{transform_indices = @transform_0, window_bounds = array<i64: 2, 1024, 32>}, {transform_indices = @transform_1, window_bounds = array<i64: 2, 1024, 16>}, {transform_indices = @transform_2, window_bounds = array<i64: 1024, 32>}, {pipeline_mode = #tpu.pipeline_mode<synchronous>, transform_indices = @transform_3, window_bounds = array<i64: 3, 32>}, {pipeline_mode = #tpu.pipeline_mode<synchronous>, transform_indices = @transform_4, window_bounds = array<i64: 1, 3>}, {transform_indices = @transform_5, window_bounds = array<i64: 1024, 3>}]} {
    %get3A = arith.constant 0 : index
    %get3A_0 = arith.constant 0 : index
    %get3A_1 = arith.constant 0 : index
    %get3A_2 = vector.load %arg1[%get3A, %get3A_0, %get3A_1] : memref<2x1024x32xf32, #tpu.memory_space<vmem>>, vector<1x1024x32xf32>
    %get3A_3 = vector.shape_cast %get3A_2 : vector<1x1024x32xf32> to vector<1024x32xf32>
    %get3A_4 = arith.constant 1 : index
    %get3A_5 = arith.constant 0 : index
    %get3A_6 = arith.constant 0 : index
    %get3A_7 = vector.load %arg1[%get3A_4, %get3A_5, %get3A_6] : memref<2x1024x32xf32, #tpu.memory_space<vmem>>, vector<1x1024x32xf32>
    %get3A_8 = vector.shape_cast %get3A_7 : vector<1x1024x32xf32> to vector<1024x32xf32>
    %add3A = arith.addf %get3A_3, %get3A_8 : vector<1024x32xf32>
    %get3A_9 = arith.constant 0 : index
    %get3A_10 = arith.constant 0 : index
    %get3A_11 = arith.constant 0 : index
    %get3A_12 = vector.load %arg2[%get3A_9, %get3A_10, %get3A_11] : memref<2x1024x16xf32, #tpu.memory_space<vmem>>, vector<1x1024x16xf32>
    %get3A_13 = vector.shape_cast %get3A_12 : vector<1x1024x16xf32> to vector<1024x16xf32>
    %get3A_14 = arith.constant 1 : index
    %get3A_15 = arith.constant 0 : index
    %get3A_16 = arith.constant 0 : index
    %get3A_17 = vector.load %arg2[%get3A_14, %get3A_15, %get3A_16] : memref<2x1024x16xf32, #tpu.memory_space<vmem>>, vector<1x1024x16xf32>
    %get3A_18 = vector.shape_cast %get3A_17 : vector<1x1024x16xf32> to vector<1024x16xf32>
    %add3A_19 = arith.addf %get3A_13, %get3A_18 : vector<1024x16xf32>
    %slice3A = vector.extract_strided_slice %add3A_19 {offsets = [0, 0], sizes = [1024, 1], strides = [1, 1]} : vector<1024x16xf32> to vector<1024x1xf32>
    %max3A = arith.constant 1.000000e+00 : f32
    %max3A_20 = vector.broadcast %max3A : f32 to vector<1024x1xf32>
    %max3A_21 = arith.maximumf %slice3A, %max3A_20 : vector<1024x1xf32>
    %div3A = vector.broadcast %max3A_21 : vector<1024x1xf32> to vector<1024x32xf32>
    %div3A_22 = arith.divf %add3A, %div3A : vector<1024x32xf32>
    %get3A_23 = arith.constant 0 : index
    %get3A_24 = arith.constant 0 : index
    %get3A_25 = vector.load %arg3[%get3A_23, %get3A_24] : memref<1024x32xf32, #tpu.memory_space<vmem>>, vector<1024x32xf32>
    %add3A_26 = arith.addf %div3A_22, %get3A_25 : vector<1024x32xf32>
    %max3A_27 = arith.constant 0.000000e+00 : f32
    %max3A_28 = vector.broadcast %max3A_27 : f32 to vector<1024x32xf32>
    %max3A_29 = arith.maximumf %add3A_26, %max3A_28 : vector<1024x32xf32>
    %get3A_30 = arith.constant 0 : index
    %get3A_31 = arith.constant 0 : index
    %get3A_32 = vector.load %arg4[%get3A_30, %get3A_31] : memref<3x32xf32, #tpu.memory_space<vmem>>, vector<3x32xf32>
    %dot_general3A = arith.constant dense<0.000000e+00> : vector<1024x3xf32>
    %dot_general3A_33 = tpu.matmul %max3A_29, %get3A_32, %dot_general3A {dimension_numbers = #tpu.dot_dimension_numbers<[1], [1], [0], [0], [0, 0, 1, 0], [], []>, transpose_lhs_hint = false} : vector<1024x32xf32>, vector<3x32xf32>, vector<1024x3xf32> -> vector<1024x3xf32>
    %get3A_34 = arith.constant 0 : index
    %get3A_35 = arith.constant 0 : index
    %get3A_36 = vector.load %arg5[%get3A_34, %get3A_35] : memref<1x3xf32, #tpu.memory_space<vmem>>, vector<1x3xf32>
    %add3A_37 = vector.broadcast %get3A_36 : vector<1x3xf32> to vector<1024x3xf32>
    %add3A_38 = arith.addf %dot_general3A_33, %add3A_37 : vector<1024x3xf32>
    %swap3A = arith.constant 0 : index
    %swap3A_39 = arith.constant 0 : index
    %swap3A_40 = vector.load %arg6[%swap3A, %swap3A_39] : memref<1024x3xf32, #tpu.memory_space<vmem>>, vector<1024x3xf32>
    tpu.vector_store %arg6[%swap3A, %swap3A_39], %add3A_38 {strides = array<i32>} : memref<1024x3xf32, #tpu.memory_space<vmem>>, vector<1024x3xf32>,
    return
  }
  func.func @transform_0(%arg0: i32) -> (i32, i32, i32) {
    %c0_i32 = arith.constant 0 : i32
    %c0_i32_0 = arith.constant 0 : i32
    %c0_i32_1 = arith.constant 0 : i32
    return %c0_i32, %arg0, %c0_i32_0 : i32, i32, i32
  }
  func.func @transform_1(%arg0: i32) -> (i32, i32, i32) {
    %c0_i32 = arith.constant 0 : i32
    %c0_i32_0 = arith.constant 0 : i32
    %c0_i32_1 = arith.constant 0 : i32
    return %c0_i32, %arg0, %c0_i32_0 : i32, i32, i32
  }
  func.func @transform_2(%arg0: i32) -> (i32, i32) {
    %c0_i32 = arith.constant 0 : i32
    %c0_i32_0 = arith.constant 0 : i32
    return %arg0, %c0_i32 : i32, i32
  }
  func.func @transform_3(%arg0: i32) -> (i32, i32) {
    %c0_i32 = arith.constant 0 : i32
    %c0_i32_0 = arith.constant 0 : i32
    %c0_i32_1 = arith.constant 0 : i32
    return %c0_i32, %c0_i32_0 : i32, i32
  }
  func.func @transform_4(%arg0: i32) -> (i32, i32) {
    %c0_i32 = arith.constant 0 : i32
    %c0_i32_0 = arith.constant 0 : i32
    %c0_i32_1 = arith.constant 0 : i32
    return %c0_i32, %c0_i32_0 : i32, i32
  }
  func.func @transform_5(%arg0: i32) -> (i32, i32) {
    %c0_i32 = arith.constant 0 : i32
    %c0_i32_0 = arith.constant 0 : i32
    return %arg0, %c0_i32 : i32, i32
  }
}

</mosaic_0001>

<sc_bundles>
// kernel: kernel.10.cloned.1.call-start
scs
__scs_entry_jumppad:
0x0: {  	(pc) =	sbr.rel $0x88, $3  }
0x1: {  	(tag) =	ssettag $0x0;
	lr =	simm.s32 $0x1  }
0x2: {  	[smem:$0x3F97] =	sst lr;
	_ =	strace $0xD0000000  }
0x3: {  	_ = 	snop  }
0x4: {  	_ = 	snop  }
0x5: {  	_ = 	snop  }
0x6: {  	_ = 	snop  }
0x7: {  	_ = 	snop  }
__scs_overlays_trampoline_lowered:
0x8: {  	[smem:$0x3FA6] =	sst s0  }
0x9: {  	[smem:$0x3FA7] =	sst s1  }
0xa: {  	[smem:$0x3FA8] =	sst s2  }
0xb: {  	[smem:$0x3FA9] =	sst s3  }
0xc: {  	[smem:$0x3FAA] =	sst s4  }
0xd: {  	[smem:$0x3FAB] =	sst s5  }
0xe: {  	[smem:$0x3FAC] =	sst s6  }
0xf: {  	[smem:$0x3FAD] =	sst s7  }
0x10: {  	[smem:$0x3FAE] =	sst s8  }
0x11: {  	[smem:$0x3FAF] =	sst s9;
	s0 =	simm.s32 @!p0 $0x0  }
0x12: {  	s1 =	sld [smem:$0x3F95];
	s0 =	simm.s32 @p0 $0x1  }
0x13: {  	[smem:$0x3FB0] =	sst s0;
	s0 =	simm.s32 @!p1 $0x0  }
0x14: {  	s2 =	sld [smem:$0x3F94];
	s0 =	simm.s32 @p1 $0x1  }
0x15: {  	[smem:$0x3FB1] =	sst s0;
	s0 =	simm.s32 @!p2 $0x0  }
0x16: {  	s3 =	sld [smem:$0x3FDB];
	s0 =	simm.s32 @p2 $0x1  }
0x17: {  	s4 =	simm.s32 $0x1BF5;
	[smem:$0x3FB3] =	sst s0  }
0x18: {  	s0 =	sld [smem:$0x3F96];
	_ =	swait.ge [sflag:s4], $0x0  }
0x19: {  	s7 =	sld [smem:$0x3F97]  }
0x1a: {  	s8 =	sadd.s32 $0xFFFFE003, lr  }
0x1b: {  	s9 =	sadd.s32 $0xFFFFFEF7, lr;
	s5 =	simm.s32 $0xFFFFFFFF;
	p2 =	slt.u32 s8, $0xFFFFF086  }
0x1c: {  	p1 =	slt.u32 s9, $0xF7A;
	s5 =	simm.s32 @!p2 $0x0  }
0x1d: {  	s5 =	simm.s32 @p1 $0x1;
	p0 =	seq.s32 s7, s2  }
0x1e: {  	s7 =	smul.u32 @!p0 $0xF7A, s2;
	p2 =	seq.s32 @!p0 s5, $0x0  }
0x1f: {  	s9 =	smul.u32 $0xF7A, s1;
	s8 =	simm.s32 @!p0 $0x1BF5;
	p2 =	por !p2, p0  }
0x20: {  	[sflag:s8] =	ssyncset.s32 @!p0 $0xFFFFF086;
	s6 =	sadd.s32 @!p0 s3, s7;
	s7 =	simm.s32 @!p0 $0x108  }
0x21: {  	s3 =	sadd.s32 s3, s9;
	s6 =	sadd.s32 @!p0 $0x88, s6;
	s7 =	simm.s32 @p2 $0x1082  }
0x22: {  	[simem:s7], [sflag:s8] =	dma.local @!p0 [hbm:s6], $0xF7A  }
0x23: {  	s9 =	sor.u32 $0xD0000000, s2;
	s6 =	simm.s32 $0x108;
	_ =	swait.ge @!p0 [sflag:s8], $0x0  }
0x24: {  	s3 =	sadd.s32 $0x88, s3;
	s6 =	simm.s32 @!p1 $0x1082;
	[sflag:s4] =	ssyncset.s32 $0xFFFFF086  }
0x25: {  	[simem:s6], [sflag:s4] =	dma.local [hbm:s3], $0xF7A  }
0x26: {  	[smem:$0x3F97] =	sst s1;
	(tag) =	ssettag s2;
	_ =	strace s9  }
0x27: {  	s1 =	sld [smem:$0x3FA7]  }
0x28: {  	s2 =	sld [smem:$0x3FA8]  }
0x29: {  	s4 =	sld [smem:$0x3FAA]  }
0x2a: {  	p0 =	seq.s32 s5, $0x0;
	s5 =	sld [smem:$0x3FAB]  }
0x2b: {  	s6 =	sld [smem:$0x3FAC]  }
0x2c: {  	s7 =	sld [smem:$0x3FAD]  }
0x2d: {  	s3 =	simm.s32 $0x108;
	s8 =	sld [smem:$0x3FAE]  }
0x2e: {  	s3 =	simm.s32 @!p0 $0x1082;
	s9 =	sld [smem:$0x3FAF]  }
0x2f: {  	lr =	sadd.s32 s0, s3;
	s0 =	sld [smem:$0x3FA6]  }
0x30: {  	s3 =	sld [smem:$0x3FA9]  }
0x31: {  	[smem:$0x3FB2] =	sst s10  }
0x32: {  	s10 =	sld [smem:$0x3FB0];
	_ =	sdelay $0x3  }
0x33: {  	p0 =	seq.s32 s10, $0x1;
	s10 =	sld [smem:$0x3FB2];
	_ =	sdelay $0x3  }
0x34: {  	[smem:$0x3FB2] =	sst s10  }
0x35: {  	s10 =	sld [smem:$0x3FB1];
	_ =	sdelay $0x3  }
0x36: {  	p1 =	seq.s32 s10, $0x1;
	s10 =	sld [smem:$0x3FB2];
	_ =	sdelay $0x3  }
0x37: {  	[smem:$0x3FB2] =	sst s10  }
0x38: {  	s10 =	sld [smem:$0x3FB3]  }
0x39: {  	_ = 	snop;
	(pc) =	sbr.ind lr, $3  }
0x3a: {  	_ = 	snop  }
0x3b: {  	_ = 	snop  }
0x3c: {  	p2 =	seq.s32 s10, $0x1;
	s10 =	sld [smem:$0x3FB2]  }
0x3d: {  	_ =	shalt  }
0x3e: {  	_ =	shalt  }
0x3f: {  	_ =	shalt  }
0x40: {  	_ =	shalt  }
0x41: {  	_ =	shalt  }
0x42: {  	_ =	shalt  }
0x43: {  	_ =	shalt  }
0x44: {  	_ =	shalt  }
0x45: {  	_ =	shalt  }
0x46: {  	_ =	shalt  }
0x47: {  	_ =	shalt  }
0x48: {  	_ =	shalt  }
0x49: {  	_ =	shalt  }
0x4a: {  	_ =	shalt  }
0x4b: {  	_ =	shalt  }
0x4c: {  	_ =	shalt  }
0x4d: {  	_ =	shalt  }
0x4e: {  	_ =	shalt  }
0x4f: {  	_ =	shalt  }
0x50: {  	_ =	shalt  }
0x51: {  	_ =	shalt  }
0x52: {  	_ =	shalt  }
0x53: {  	_ =	shalt  }
0x54: {  	_ =	shalt  }
0x55: {  	_ =	shalt  }
0x56: {  	_ =	shalt  }
0x57: {  	_ =	shalt  }
0x58: {  	_ =	shalt  }
0x59: {  	_ =	shalt  }
0x5a: {  	_ =	shalt  }
0x5b: {  	_ =	shalt  }
0x5c: {  	_ =	shalt  }
0x5d: {  	_ =	shalt  }
0x5e: {  	_ =	shalt  }
0x5f: {  	_ =	shalt  }
0x60: {  	_ =	shalt  }
0x61: {  	_ =	shalt  }
0x62: {  	_ =	shalt  }
0x63: {  	_ =	shalt  }
0x64: {  	_ =	shalt  }
0x65: {  	_ =	shalt  }
0x66: {  	_ =	shalt  }
0x67: {  	_ =	shalt  }
0x68: {  	_ =	shalt  }
0x69: {  	_ =	shalt  }
0x6a: {  	_ =	shalt  }
0x6b: {  	_ =	shalt  }
0x6c: {  	_ =	shalt  }
0x6d: {  	_ =	shalt  }
0x6e: {  	_ =	shalt  }
0x6f: {  	_ =	shalt  }
0x70: {  	_ =	shalt  }
0x71: {  	_ =	shalt  }
0x72: {  	_ =	shalt  }
0x73: {  	_ =	shalt  }
0x74: {  	_ =	shalt  }
0x75: {  	_ =	shalt  }
0x76: {  	_ =	shalt  }
0x77: {  	_ =	shalt  }
0x78: {  	_ =	shalt  }
0x79: {  	_ =	shalt  }
0x7a: {  	_ =	shalt  }
0x7b: {  	_ =	shalt  }
0x7c: {  	_ =	shalt  }
0x7d: {  	_ =	shalt  }
0x7e: {  	_ =	shalt  }
0x7f: {  	_ =	shalt  }
0x80: {  	_ =	shalt  }
0x81: {  	_ =	shalt  }
0x82: {  	_ =	shalt  }
0x83: {  	_ =	shalt  }
0x84: {  	_ =	shalt  }
0x85: {  	_ =	shalt  }
0x86: {  	_ =	shalt  }
0x87: {  	_ =	shalt  }
.Lfunc_end0:
.L_simem_size_0:
called_computation.1_lowered:
.L_overlay_start_0:
0x88: {  	s2 =	sld [smem:$0x3FD9]  }
0x89: {  	s3 =	sld [smem:$0x3FFE];
	_ =	sdelay $0x1  }
0x8a: {  	s1 =	srdreg.scid  }
0x8b: {  	s0 =	sand.u32 $0x1, s1  }
0x8c: {  	s17 =	sshll.u32 s0, $0xA;
	s2 =	sadd.s32 s3, s2  }
0x8d: {  	s2 =	sadd.s32 s2, s17  }
0x8e: {  	[smem:$0x3FBE] =	sst s2  }
0x8f: {  	_ = 	snop  }
0x90: {  	s2 =	sld [smem:$0x3FD0];
	(tm) =	ssettm $0x1  }
0x91: {  	s18 =	sld [smem:$0x3FFB];
	_ =	sdelay $0x3  }
0x92: {  	_ =	strace s18  }
0x93: {  	s3 =	sld [smem:$0x3FFC];
	_ =	sdelay $0x3  }
0x94: {  	_ =	strace s3  }
0x95: {  	s3 =	sld [smem:$0x3FFD];
	_ =	sdelay $0x3  }
0x96: {  	_ =	strace s3  }
0x97: {  	_ =	strace $0x8FFFFFFF  }
0x98: {  	s19 =	sld [smem:$0x3FDB];
	_ =	sdelay $0x1  }
0x99: {  	s4 =	simm.s32 $_scs_section_size  }
0x9a: {  	s5 =	simm.s32 $_size__tile_overlayer_lowered;
	s6 =	simm.s32 $_tile_overlayer_lowered  }
0x9b: {  	s22 =	simm.s32 $0x1BFF;
	s21 =	sshll.u32 s6, $0x1;
	s3 =	sadd.s32 s4, s19  }
0x9c: {  	s7 =	simm.s32 $0x0;
	s20 =	sshll.u32 s5, $0x1;
	s5 =	sadd.s32 s21, s3  }
0x9d: {  	[timem:s7], [sflag:s22] =	dma.local [hbm:s5], s20  }
0x9e: {  	_ =	swait.ge [sflag:s22], s20  }
0x9f: {  	s4 =	ssub.s32 $0x0, s20;
	[sflag:s22] =	ssyncset.done $0x0  }
0xa0: {  	[sflag:s22] =	ssyncadd.s32 s4;
	_ =	sdelay $0x1  }
0xa1: {  	s23 =	simm.s32 $0x1B8B  }
0xa2: {  	_ =	swait.ge [sflag:s23], $0x1  }
0xa3: {  	[sflag:s23] =	ssyncset.done $0x0  }
0xa4: {  	s25 =	simm.s32 $0x1B8E;
	s24 =	sld [smem:$0x3FFE];
	[sflag:s23] =	ssyncadd.s32 $0xFFFFFFFF  }
0xa5: {  	s26 =	simm.s32 $execute0_lowered;
	[smem:$0x3FD2] =	sst s25  }
0xa6: {  	s5 =	sshll.u32 s26, $0x1;
	_ =	strace $0x80000049;
	[dreg:$0x1] =	wrdreg $0xFFFFFFFF  }
0xa7: {  	s28 =	simm.s32 $_size_execute0_lowered;
	s3 =	sadd.s32 s3, s5;
	[dreg:$0x0] =	wrdreg $0x0  }
0xa8: {  	s5 =	sshll.u32 s28, $0x1;
	[dreg:$0x2] =	wrdreg s3  }
0xa9: {  	[dreg:$0x3] =	wrdreg s5  }
0xaa: {  	[dreg:$0x4] =	wrdreg $0xC0  }
0xab: {  	_ =	task [dreg:s7], $0x5FFFF  }
0xac: {  	[dreg:$0x1] =	wrdreg $0xFFFFFFFF  }
0xad: {  	[dreg:$0x0] =	wrdreg $0x60  }
0xae: {  	[dreg:$0x2] =	wrdreg s24  }
0xaf: {  	[dreg:$0x3] =	wrdreg s2  }
0xb0: {  	[dreg:$0x4] =	wrdreg $0x90000  }
0xb1: {  	[dreg:$0x5] =	wrdreg $0x9  }
0xb2: {  	_ =	task.clear_ibuf [dreg:s7], $0x6FFFF;
	_ =	strace $0x90000049  }
0xb3: {  	s29 =	simm.s32 $0x9;
	_ =	strace $0x8000004B  }
0xb4: {  	_ =	swait.ge [sflag:s29], $0x1  }
0xb5: {  	[sflag:s29] =	ssyncadd.s32 $0xFFFFFFFF  }
0xb6: {  	_ =	strace $0x9000004B  }
0xb7: {  	_ =	sfence  }
0xb8: {  	s30 =	sld [smem:$0x0];
	_ =	sdelay $0x2  }
0xb9: {  	s31 =	sshll.u32 s1, $0xD;
	s1 =	sshrl.u32 s1, $0x2  }
0xba: {  	s3 =	sand.u32 $0x4000, s31;
	s1 =	sadd.s32 s1, s30  }
0xbb: {  	s0 =	sor.u32 s3, s0;
	s1 =	sshll.u32 s1, $0x11  }
0xbc: {  	s0 =	sor.u32 s1, s0  }
0xbd: {  	s0 =	sadd.s32 $0x8F2B, s0  }
0xbe: {  	[sflag:s0] =	ssyncadd.remote.s32 $0x1  }
0xbf: {  	_ =	sfence.sel $0xFFFF  }
0xc0: {  	[dreg:$0x0] =	wrdreg $0xFFFFFFFF;
	(pc) =	sbr.abs _section_cstart, $3  }
0xc1: {  	[dreg:$0x1] =	wrdreg $0xFFFFFFFF  }
0xc2: {  	_ =	task.clear_ibuf [dreg:s7], $0x2FFFF;
	_ =	strace $0x9FFFFFFF  }
0xc3: {  	(tm) =	ssettm $0x7FFFFFFF  }
tec
execute0_lowered:
.L_overlay_start_1:
0x0: {  	(tag) =	ssettag $0x1  }
0x1: {  	s0 =	rddreg [dreg:$0x0]  }
0x2: {  	s3 =	rddreg [dreg:$0x2];
	s1 =	srdreg.scid  }
0x3: {  	s9 =	stileid.u32;
	s4 =	simm.s32 $0x0;
	s12 =	simm.s32 $0x9  }
0x4: {  	s13 =	simm.s32 $0x2800;
	s14 =	simm.s32 $0x80;
	s15 =	simm.s32 $0x5000  }
0x5: {  	s16 =	simm.s32 $0x6000;
	s18 =	simm.s32 $0x7000;
	s19 =	simm.s32 $0x1  }
0x6: {  	s21 =	simm.s32 $0x8000;
	s22 =	simm.s32 $0x2;
	s23 =	simm.s32 $0x2880  }
0x7: {  	s24 =	simm.s32 $0x5;
	s28 =	simm.s32 $0x4;
	s29 =	simm.s32 $0x7  }
0x8: {  	s30 =	simm.s32 $0x8;
	s31 =	simm.s32 $0x4F00;
	s1 =	sand.u32 $0x1, s1  }
0x9: {  	s2 =	smul.u32 $0x5000, s9;
	[smem:$0x7FF] =	sst s4;
	s26 =	sshll.u32 s9, $0x6  }
0xa: {  	s5 =	sshll.u32 s1, $0x4;
	s6 =	smul.u32 $0x50000, s1;
	s1 =	ssub.s32 $0x2, s1  }
0xb: {  	_ =	strace $0x8000004A;
	s5 =	sor.u32 s9, s5;
	s25 =	sshrl.u32 s1, $0x1  }
0xc: {  	s7 =	smul.u32 $0x500, s5;
	s6 =	sadd.s32 s2, s6;
	s5 =	sadd.s32 $0x1C00, s0  }
0xd: {  	s1 =	ssub.s32 s1, s25;
	s2 =	sadd.s32 s2, s3;
	s25 =	simm.s32 $0x3  }
0xe: {  	s6 =	sshrl.u32 s6, $0x3;
	s10 =	smax.u32 s1, $0x1;
	s11 =	sshrl.u32 s2, $0x3  }
0xf: {  	s1 =	simm.s32 $0x0;
	s8 =	sadd.s32 s7, s0;
	s0 =	sadd.s32 s6, s0  }
0x10: {  	s6 =	sor.u32 $0x1C09, s26;
	s26 =	simm.s32 $0x6;
	s7 =	sadd.s32 $0x15C00, s8  }
0x11: {  	s8 =	sadd.s32 $0xBC00, s8;
	s9 =	sadd.s32 $0x20400, s0;
	s0 =	simm.s32 $0x4F80  }
.LBB2_1:
0x12: {  	s2 =	rddreg [dreg:$0x1]  }
0x13: {  	[spmem:s11], [sflag:s6] =	dma.local [hbm:s2], $0xA00  }
0x14: {  	_ =	swait.ge [sflag:s12], $0xA00  }
0x15: {  	[sflag:s12] =	ssyncset.done $0x0  }
0x16: {  	[sflag:s12] =	ssyncadd.s32 $0xFFFFF600  }
0x17: {  	[tilespmem:s4], [sflag:$0x9] =	stream.linear.gather [hbm4b:s7+s4], $0x2800, $0x38;
	[tilespmem:$0xE000] =	vst v63  }
0x18: {  	_ =	swait.ge [sflag:s12], $0x2800  }
0x19: {  	[sflag:s12] =	ssyncset.done $0x0  }
0x1a: {  	[sflag:s12] =	ssyncadd.s32 $0xFFFFD800  }
0x1b: {  	[tilespmem:s13], [sflag:$0x9] =	stream.linear.gather [hbm4b:s8+s4], $0x2800, $0x38;
	[tilespmem:$0xE000] =	vst v63  }
0x1c: {  	_ =	swait.ge [sflag:s12], $0x2800  }
0x1d: {  	[sflag:s12] =	ssyncset.done $0x0  }
0x1e: {  	[sflag:s12] =	ssyncadd.s32 $0xFFFFD800  }
0x1f: {  	[bflag:$0x0] =	sbarrier.arrive $0xFFFF  }
0x20: {  	[tilespmem:s15], [sflag:$0x1] =	stream.indirect.gather [hbm4b:s5+s14], $0x20, s4, s14, $0xb8;
	[tilespmem:$0xE000] =	vst v63  }
0x21: {  	_ = 	snop  }
0x22: {  	[tilespmem:s16], [sflag:$0x2] =	stream.indirect.gather [hbm4b:s5+s14], $0x20, s14, s14, $0xb8;
	[tilespmem:$0xE000] =	vst v63  }
0x23: {  	s20 =	simm.s32 $0x100  }
0x24: {  	[tilespmem:s18], [sflag:$0x3] =	stream.indirect.gather [hbm4b:s5+s14], $0x20, s20, s14, $0xb8;
	[tilespmem:$0xE000] =	vst v63  }
0x25: {  	_ =	swait.ge [sflag:s19], $0x1000  }
0x26: {  	[sflag:s19] =	ssyncset.done $0x0  }
0x27: {  	[sflag:s19] =	ssyncadd.s32 $0xFFFFF000  }
0x28: {  	[spmem:s3] =	stream.indirect.scatter.add.f32 [tilespmem:s15], [sflag:$0x5], $0x20, s13, s14, $0xb8;
	[tilespmem:$0xE000] =	vst v63  }
0x29: {  	s17 =	simm.s32 $0x180  }
0x2a: {  	[tilespmem:s21], [sflag:$0x4] =	stream.indirect.gather [hbm4b:s5+s14], $0x20, s17, s14, $0xb8;
	[tilespmem:$0xE000] =	vst v63  }
0x2b: {  	_ =	swait.ge [sflag:s22], $0x1000  }
0x2c: {  	[sflag:s22] =	ssyncset.done $0x0  }
0x2d: {  	[sflag:s22] =	ssyncadd.s32 $0xFFFFF000  }
0x2e: {  	[spmem:s3] =	stream.indirect.scatter.add.f32 [tilespmem:s16], [sflag:$0x6], $0x20, s23, s14, $0xb8;
	[tilespmem:$0xE000] =	vst v63  }
0x2f: {  	_ =	swait.ge [sflag:s24], $0x1000  }
0x30: {  	[sflag:s24] =	ssyncset.done $0x0  }
0x31: {  	s20 =	simm.s32 $0x200;
	[sflag:s24] =	ssyncadd.s32 $0xFFFFF000  }
0x32: {  	[tilespmem:s15], [sflag:$0x1] =	stream.indirect.gather [hbm4b:s5+s14], $0x20, s20, s14, $0xb8;
	[tilespmem:$0xE000] =	vst v63  }
0x33: {  	_ =	swait.ge [sflag:s25], $0x1000  }
0x34: {  	[sflag:s25] =	ssyncset.done $0x0  }
0x35: {  	s17 =	simm.s32 $0x2900;
	[sflag:s25] =	ssyncadd.s32 $0xFFFFF000  }
0x36: {  	[spmem:s3] =	stream.indirect.scatter.add.f32 [tilespmem:s18], [sflag:$0x7], $0x20, s17, s14, $0xb8;
	[tilespmem:$0xE000] =	vst v63  }
0x37: {  	_ =	swait.ge [sflag:s26], $0x1000  }
0x38: {  	[sflag:s26] =	ssyncset.done $0x0  }
0x39: {  	s20 =	simm.s32 $0x280;
	[sflag:s26] =	ssyncadd.s32 $0xFFFFF000  }
0x3a: {  	[tilespmem:s16], [sflag:$0x2] =	stream.indirect.gather [hbm4b:s5+s14], $0x20, s20, s14, $0xb8;
	[tilespmem:$0xE000] =	vst v63  }
0x3b: {  	_ =	swait.ge [sflag:s28], $0x1000  }
0x3c: {  	[sflag:s28] =	ssyncset.done $0x0  }
0x3d: {  	s17 =	simm.s32 $0x2980;
	[sflag:s28] =	ssyncadd.s32 $0xFFFFF000  }
0x3e: {  	[spmem:s3] =	stream.indirect.scatter.add.f32 [tilespmem:s21], [sflag:$0x8], $0x20, s17, s14, $0xb8;
	[tilespmem:$0xE000] =	vst v63  }
0x3f: {  	_ =	swait.ge [sflag:s29], $0x1000  }
0x40: {  	[sflag:s29] =	ssyncset.done $0x0  }
0x41: {  	s20 =	simm.s32 $0x300;
	[sflag:s29] =	ssyncadd.s32 $0xFFFFF000  }
0x42: {  	[tilespmem:s18], [sflag:$0x3] =	stream.indirect.gather [hbm4b:s5+s14], $0x20, s20, s14, $0xb8;
	[tilespmem:$0xE000] =	vst v63  }
0x43: {  	_ =	swait.ge [sflag:s19], $0x1000  }
0x44: {  	[sflag:s19] =	ssyncset.done $0x0  }
0x45: {  	s17 =	simm.s32 $0x2A00;
	[sflag:s19] =	ssyncadd.s32 $0xFFFFF000  }
0x46: {  	[spmem:s3] =	stream.indirect.scatter.add.f32 [tilespmem:s15], [sflag:$0x5], $0x20, s17, s14, $0xb8;
	[tilespmem:$0xE000] =	vst v63  }
0x47: {  	_ =	swait.ge [sflag:s30], $0x1000  }
0x48: {  	[sflag:s30] =	ssyncset.done $0x0  }
0x49: {  	s20 =	simm.s32 $0x380;
	[sflag:s30] =	ssyncadd.s32 $0xFFFFF000  }
0x4a: {  	[tilespmem:s21], [sflag:$0x4] =	stream.indirect.gather [hbm4b:s5+s14], $0x20, s20, s14, $0xb8;
	[tilespmem:$0xE000] =	vst v63  }
0x4b: {  	_ =	swait.ge [sflag:s22], $0x1000  }
0x4c: {  	[sflag:s22] =	ssyncset.done $0x0  }
0x4d: {  	s2 =	simm.s32 $0x800;
	s17 =	simm.s32 $0x2A80;
	[sflag:s22] =	ssyncadd.s32 $0xFFFFF000  }
.LBB2_2:
0x4e: {  	[spmem:s3] =	stream.indirect.scatter.add.f32 [tilespmem:s16], [sflag:$0x6], $0x20, s17, s14, $0xb8;
	[tilespmem:$0xE000] =	vst v63  }
0x4f: {  	s17 =	smov.u32 s2  }
0x50: {  	p0 =	sne.s32 s2, $0x9000;
	s2 =	sadd.s32 $0x800, s2;
	_ =	swait.ge [sflag:s24], $0x1000  }
0x51: {  	s17 =	sshra.s32 s17, $0x2;
	[sflag:s24] =	ssyncset.done $0x0  }
0x52: {  	s20 =	sadd.s32 $0x200, s17;
	[sflag:s24] =	ssyncadd.s32 $0xFFFFF000  }
0x53: {  	[tilespmem:s15], [sflag:$0x1] =	stream.indirect.gather [hbm4b:s5+s14], $0x20, s20, s14, $0xb8;
	[tilespmem:$0xE000] =	vst v63  }
0x54: {  	_ =	swait.ge [sflag:s25], $0x1000  }
0x55: {  	[sflag:s25] =	ssyncset.done $0x0  }
0x56: {  	s20 =	sadd.s32 $0x2900, s17;
	[sflag:s25] =	ssyncadd.s32 $0xFFFFF000  }
0x57: {  	[spmem:s3] =	stream.indirect.scatter.add.f32 [tilespmem:s18], [sflag:$0x7], $0x20, s20, s14, $0xb8;
	[tilespmem:$0xE000] =	vst v63  }
0x58: {  	_ =	swait.ge [sflag:s26], $0x1000  }
0x59: {  	[sflag:s26] =	ssyncset.done $0x0  }
0x5a: {  	s20 =	sadd.s32 $0x280, s17;
	[sflag:s26] =	ssyncadd.s32 $0xFFFFF000  }
0x5b: {  	[tilespmem:s16], [sflag:$0x2] =	stream.indirect.gather [hbm4b:s5+s14], $0x20, s20, s14, $0xb8;
	[tilespmem:$0xE000] =	vst v63  }
0x5c: {  	_ =	swait.ge [sflag:s28], $0x1000  }
0x5d: {  	[sflag:s28] =	ssyncset.done $0x0  }
0x5e: {  	s20 =	sadd.s32 $0x2980, s17;
	[sflag:s28] =	ssyncadd.s32 $0xFFFFF000  }
0x5f: {  	[spmem:s3] =	stream.indirect.scatter.add.f32 [tilespmem:s21], [sflag:$0x8], $0x20, s20, s14, $0xb8;
	[tilespmem:$0xE000] =	vst v63  }
0x60: {  	_ =	swait.ge [sflag:s29], $0x1000  }
0x61: {  	[sflag:s29] =	ssyncset.done $0x0  }
0x62: {  	s20 =	sadd.s32 $0x300, s17;
	[sflag:s29] =	ssyncadd.s32 $0xFFFFF000  }
0x63: {  	[tilespmem:s18], [sflag:$0x3] =	stream.indirect.gather [hbm4b:s5+s14], $0x20, s20, s14, $0xb8;
	[tilespmem:$0xE000] =	vst v63  }
0x64: {  	_ =	swait.ge [sflag:s19], $0x1000  }
0x65: {  	[sflag:s19] =	ssyncset.done $0x0  }
0x66: {  	s20 =	sadd.s32 $0x2A00, s17;
	[sflag:s19] =	ssyncadd.s32 $0xFFFFF000  }
0x67: {  	[spmem:s3] =	stream.indirect.scatter.add.f32 [tilespmem:s15], [sflag:$0x5], $0x20, s20, s14, $0xb8;
	[tilespmem:$0xE000] =	vst v63  }
0x68: {  	_ =	swait.ge [sflag:s30], $0x1000  }
0x69: {  	[sflag:s30] =	ssyncset.done $0x0  }
.Ltmp0:
0x6a: {  	s20 =	sadd.s32 $0x380, s17;
	[sflag:s30] =	ssyncadd.s32 $0xFFFFF000;
	(pc) =	sbr.rel @p0 .LBB2_2-.Ltmp0, $4  }
0x6b: {  	[tilespmem:s21], [sflag:$0x4] =	stream.indirect.gather [hbm4b:s5+s14], $0x20, s20, s14, $0xb8;
	[tilespmem:$0xE000] =	vst v63  }
0x6c: {  	_ =	swait.ge [sflag:s22], $0x1000  }
0x6d: {  	[sflag:s22] =	ssyncset.done $0x0  }
0x6e: {  	s17 =	sadd.s32 $0x2A80, s17;
	[sflag:s22] =	ssyncadd.s32 $0xFFFFF000  }
0x6f: {  	[spmem:s3] =	stream.indirect.scatter.add.f32 [tilespmem:s16], [sflag:$0x6], $0x20, s17, s14, $0xb8;
	[tilespmem:$0xE000] =	vst v63  }
0x70: {  	_ =	swait.ge [sflag:s25], $0x1000  }
0x71: {  	[sflag:s25] =	ssyncset.done $0x0  }
0x72: {  	[sflag:s25] =	ssyncadd.s32 $0xFFFFF000  }
0x73: {  	[spmem:s3] =	stream.indirect.scatter.add.f32 [tilespmem:s18], [sflag:$0x7], $0x20, s31, s14, $0xb8;
	[tilespmem:$0xE000] =	vst v63  }
0x74: {  	_ =	swait.ge [sflag:s28], $0x1000  }
0x75: {  	[sflag:s28] =	ssyncset.done $0x0  }
0x76: {  	[sflag:s28] =	ssyncadd.s32 $0xFFFFF000  }
0x77: {  	[spmem:s3] =	stream.indirect.scatter.add.f32 [tilespmem:s21], [sflag:$0x8], $0x20, s0, s14, $0xb8;
	[tilespmem:$0xE000] =	vst v63  }
0x78: {  	_ =	swait.ge [sflag:s24], $0x1000  }
0x79: {  	[sflag:s24] =	ssyncset.done $0x0  }
0x7a: {  	[sflag:s24] =	ssyncadd.s32 $0xFFFFF000  }
0x7b: {  	_ =	swait.ge [sflag:s26], $0x1000  }
0x7c: {  	[sflag:s26] =	ssyncset.done $0x0  }
0x7d: {  	[sflag:s26] =	ssyncadd.s32 $0xFFFFF000  }
0x7e: {  	_ =	swait.ge [sflag:s29], $0x1000  }
0x7f: {  	[sflag:s29] =	ssyncset.done $0x0  }
0x80: {  	[sflag:s29] =	ssyncadd.s32 $0xFFFFF000  }
0x81: {  	_ =	swait.ge [sflag:s30], $0x1000  }
0x82: {  	s1 =	sadd.s32 $0x1, s1;
	[sflag:s30] =	ssyncset.done $0x0  }
0x83: {  	p0 =	sne.s32 s1, s10;
	[sflag:s30] =	ssyncadd.s32 $0xFFFFF000  }
.Ltmp1:
0x84: {  	[bflag:$0x0] =	sbarrier.arrive $0xFFFF;
	(pc) =	sbr.rel @p0 .LBB2_1-.Ltmp1, $4  }
0x85: {  	[hbm:s9], [sflag:s6] =	dma.local [spmem:s11], $0xA00  }
0x86: {  	_ =	swait.ge [sflag:s12], $0xA00  }
0x87: {  	[sflag:s12] =	ssyncset.done $0x0  }
0x88: {  	[sflag:s12] =	ssyncadd.s32 $0xFFFFF600  }
0x89: {  	_ =	sfence.sel $0x180000  }
0x8a: {  	[bflag:$0x0] =	sbarrier.arrive $0xFFFF  }
0x8b: {  	_ =	strace $0x9000004A  }
0x8c: {  	s0 =	stileid.u32;
	[bflag:$0x2] =	sbarrier.arrive $0xFFFF  }
0x8d: {  	p0 =	sne.s32 s0, $0x0;
	s0 =	rddreg [dreg:$0x3]  }
0x8e: {  	s0 =	sadd.s32 @!p0 $0x100000, s0  }
0x8f: {  	[sflag:s0] =	ssyncadd.tile.s32 @!p0 $0x1;
	_ =	shalt  }
.Lfunc_end2:
_tile_overlayer_lowered:
.L_overlay_start_2:
0x90: {  	(tag) =	ssettag $0x2  }
0x91: {  	s0 =	rddreg [dreg:$0x0];
	s2 =	stileid.u32  }
0x92: {  	s1 =	rddreg [dreg:$0x1];
	p0 =	sne.s32 s2, $0x0  }
0x93: {  	s3 =	rddreg [dreg:$0x2];
	[bflag:$0x3] =	sbarrier.arrive $0xFFFF;
	s2 =	simm.s32 @!p0 $0x1C09  }
0x94: {  	[timem:s3], [sflag:s2] =	dma.local @!p0 [hbm:s0], s1  }
0x95: {  	s0 =	simm.s32 @!p0 $0x9  }
0x96: {  	_ =	swait.ge @!p0 [sflag:s0], s1  }
0x97: {  	s1 =	ssub.s32 @!p0 $0x0, s1;
	[sflag:s0] =	ssyncset.done @!p0 $0x0  }
0x98: {  	[sflag:s0] =	ssyncadd.s32 @!p0 s1  }
0x99: {  	[bflag:$0x3] =	sbarrier.arrive $0xFFFF  }
0x9a: {  	_ =	shalt  }

// kernel: kernel.7.cloned.1.call-start
scs
__scs_entry_jumppad:
0x0: {  	(pc) =	sbr.rel $0x88, $3  }
0x1: {  	(tag) =	ssettag $0x0;
	lr =	simm.s32 $0x1  }
0x2: {  	[smem:$0x3F97] =	sst lr;
	_ =	strace $0xD0000000  }
0x3: {  	_ = 	snop  }
0x4: {  	_ = 	snop  }
0x5: {  	_ = 	snop  }
0x6: {  	_ = 	snop  }
0x7: {  	_ = 	snop  }
__scs_overlays_trampoline_lowered:
0x8: {  	[smem:$0x3FA6] =	sst s0  }
0x9: {  	[smem:$0x3FA7] =	sst s1  }
0xa: {  	[smem:$0x3FA8] =	sst s2  }
0xb: {  	[smem:$0x3FA9] =	sst s3  }
0xc: {  	[smem:$0x3FAA] =	sst s4  }
0xd: {  	[smem:$0x3FAB] =	sst s5  }
0xe: {  	[smem:$0x3FAC] =	sst s6  }
0xf: {  	[smem:$0x3FAD] =	sst s7  }
0x10: {  	[smem:$0x3FAE] =	sst s8  }
0x11: {  	[smem:$0x3FAF] =	sst s9;
	s0 =	simm.s32 @!p0 $0x0  }
0x12: {  	s1 =	sld [smem:$0x3F95];
	s0 =	simm.s32 @p0 $0x1  }
0x13: {  	[smem:$0x3FB0] =	sst s0;
	s0 =	simm.s32 @!p1 $0x0  }
0x14: {  	s2 =	sld [smem:$0x3F94];
	s0 =	simm.s32 @p1 $0x1  }
0x15: {  	[smem:$0x3FB1] =	sst s0;
	s0 =	simm.s32 @!p2 $0x0  }
0x16: {  	s3 =	sld [smem:$0x3FDB];
	s0 =	simm.s32 @p2 $0x1  }
0x17: {  	s4 =	simm.s32 $0x1BF5;
	[smem:$0x3FB3] =	sst s0  }
0x18: {  	s0 =	sld [smem:$0x3F96];
	_ =	swait.ge [sflag:s4], $0x0  }
0x19: {  	s7 =	sld [smem:$0x3F97]  }
0x1a: {  	s8 =	sadd.s32 $0xFFFFE003, lr  }
0x1b: {  	s9 =	sadd.s32 $0xFFFFFEF7, lr;
	s5 =	simm.s32 $0xFFFFFFFF;
	p2 =	slt.u32 s8, $0xFFFFF086  }
0x1c: {  	p1 =	slt.u32 s9, $0xF7A;
	s5 =	simm.s32 @!p2 $0x0  }
0x1d: {  	s5 =	simm.s32 @p1 $0x1;
	p0 =	seq.s32 s7, s2  }
0x1e: {  	s7 =	smul.u32 @!p0 $0xF7A, s2;
	p2 =	seq.s32 @!p0 s5, $0x0  }
0x1f: {  	s9 =	smul.u32 $0xF7A, s1;
	s8 =	simm.s32 @!p0 $0x1BF5;
	p2 =	por !p2, p0  }
0x20: {  	[sflag:s8] =	ssyncset.s32 @!p0 $0xFFFFF086;
	s6 =	sadd.s32 @!p0 s3, s7;
	s7 =	simm.s32 @!p0 $0x108  }
0x21: {  	s3 =	sadd.s32 s3, s9;
	s6 =	sadd.s32 @!p0 $0x88, s6;
	s7 =	simm.s32 @p2 $0x1082  }
0x22: {  	[simem:s7], [sflag:s8] =	dma.local @!p0 [hbm:s6], $0xF7A  }
0x23: {  	s9 =	sor.u32 $0xD0000000, s2;
	s6 =	simm.s32 $0x108;
	_ =	swait.ge @!p0 [sflag:s8], $0x0  }
0x24: {  	s3 =	sadd.s32 $0x88, s3;
	s6 =	simm.s32 @!p1 $0x1082;
	[sflag:s4] =	ssyncset.s32 $0xFFFFF086  }
0x25: {  	[simem:s6], [sflag:s4] =	dma.local [hbm:s3], $0xF7A  }
0x26: {  	[smem:$0x3F97] =	sst s1;
	(tag) =	ssettag s2;
	_ =	strace s9  }
0x27: {  	s1 =	sld [smem:$0x3FA7]  }
0x28: {  	s2 =	sld [smem:$0x3FA8]  }
0x29: {  	s4 =	sld [smem:$0x3FAA]  }
0x2a: {  	p0 =	seq.s32 s5, $0x0;
	s5 =	sld [smem:$0x3FAB]  }
0x2b: {  	s6 =	sld [smem:$0x3FAC]  }
0x2c: {  	s7 =	sld [smem:$0x3FAD]  }
0x2d: {  	s3 =	simm.s32 $0x108;
	s8 =	sld [smem:$0x3FAE]  }
0x2e: {  	s3 =	simm.s32 @!p0 $0x1082;
	s9 =	sld [smem:$0x3FAF]  }
0x2f: {  	lr =	sadd.s32 s0, s3;
	s0 =	sld [smem:$0x3FA6]  }
0x30: {  	s3 =	sld [smem:$0x3FA9]  }
0x31: {  	[smem:$0x3FB2] =	sst s10  }
0x32: {  	s10 =	sld [smem:$0x3FB0];
	_ =	sdelay $0x3  }
0x33: {  	p0 =	seq.s32 s10, $0x1;
	s10 =	sld [smem:$0x3FB2];
	_ =	sdelay $0x3  }
0x34: {  	[smem:$0x3FB2] =	sst s10  }
0x35: {  	s10 =	sld [smem:$0x3FB1];
	_ =	sdelay $0x3  }
0x36: {  	p1 =	seq.s32 s10, $0x1;
	s10 =	sld [smem:$0x3FB2];
	_ =	sdelay $0x3  }
0x37: {  	[smem:$0x3FB2] =	sst s10  }
0x38: {  	s10 =	sld [smem:$0x3FB3]  }
0x39: {  	_ = 	snop;
	(pc) =	sbr.ind lr, $3  }
0x3a: {  	_ = 	snop  }
0x3b: {  	_ = 	snop  }
0x3c: {  	p2 =	seq.s32 s10, $0x1;
	s10 =	sld [smem:$0x3FB2]  }
0x3d: {  	_ =	shalt  }
0x3e: {  	_ =	shalt  }
0x3f: {  	_ =	shalt  }
0x40: {  	_ =	shalt  }
0x41: {  	_ =	shalt  }
0x42: {  	_ =	shalt  }
0x43: {  	_ =	shalt  }
0x44: {  	_ =	shalt  }
0x45: {  	_ =	shalt  }
0x46: {  	_ =	shalt  }
0x47: {  	_ =	shalt  }
0x48: {  	_ =	shalt  }
0x49: {  	_ =	shalt  }
0x4a: {  	_ =	shalt  }
0x4b: {  	_ =	shalt  }
0x4c: {  	_ =	shalt  }
0x4d: {  	_ =	shalt  }
0x4e: {  	_ =	shalt  }
0x4f: {  	_ =	shalt  }
0x50: {  	_ =	shalt  }
0x51: {  	_ =	shalt  }
0x52: {  	_ =	shalt  }
0x53: {  	_ =	shalt  }
0x54: {  	_ =	shalt  }
0x55: {  	_ =	shalt  }
0x56: {  	_ =	shalt  }
0x57: {  	_ =	shalt  }
0x58: {  	_ =	shalt  }
0x59: {  	_ =	shalt  }
0x5a: {  	_ =	shalt  }
0x5b: {  	_ =	shalt  }
0x5c: {  	_ =	shalt  }
0x5d: {  	_ =	shalt  }
0x5e: {  	_ =	shalt  }
0x5f: {  	_ =	shalt  }
0x60: {  	_ =	shalt  }
0x61: {  	_ =	shalt  }
0x62: {  	_ =	shalt  }
0x63: {  	_ =	shalt  }
0x64: {  	_ =	shalt  }
0x65: {  	_ =	shalt  }
0x66: {  	_ =	shalt  }
0x67: {  	_ =	shalt  }
0x68: {  	_ =	shalt  }
0x69: {  	_ =	shalt  }
0x6a: {  	_ =	shalt  }
0x6b: {  	_ =	shalt  }
0x6c: {  	_ =	shalt  }
0x6d: {  	_ =	shalt  }
0x6e: {  	_ =	shalt  }
0x6f: {  	_ =	shalt  }
0x70: {  	_ =	shalt  }
0x71: {  	_ =	shalt  }
0x72: {  	_ =	shalt  }
0x73: {  	_ =	shalt  }
0x74: {  	_ =	shalt  }
0x75: {  	_ =	shalt  }
0x76: {  	_ =	shalt  }
0x77: {  	_ =	shalt  }
0x78: {  	_ =	shalt  }
0x79: {  	_ =	shalt  }
0x7a: {  	_ =	shalt  }
0x7b: {  	_ =	shalt  }
0x7c: {  	_ =	shalt  }
0x7d: {  	_ =	shalt  }
0x7e: {  	_ =	shalt  }
0x7f: {  	_ =	shalt  }
0x80: {  	_ =	shalt  }
0x81: {  	_ =	shalt  }
0x82: {  	_ =	shalt  }
0x83: {  	_ =	shalt  }
0x84: {  	_ =	shalt  }
0x85: {  	_ =	shalt  }
0x86: {  	_ =	shalt  }
0x87: {  	_ =	shalt  }
.Lfunc_end0:
.L_simem_size_0:
called_computation_lowered:
.L_overlay_start_0:
0x88: {  	s2 =	sld [smem:$0x3FD9]  }
0x89: {  	s3 =	sld [smem:$0x3FFE];
	_ =	sdelay $0x1  }
0x8a: {  	s1 =	srdreg.scid  }
0x8b: {  	s0 =	sand.u32 $0x1, s1  }
0x8c: {  	s17 =	sshll.u32 s0, $0xA;
	s2 =	sadd.s32 s3, s2  }
0x8d: {  	s2 =	sadd.s32 s2, s17  }
0x8e: {  	[smem:$0x3FBE] =	sst s2  }
0x8f: {  	_ = 	snop  }
0x90: {  	s2 =	sld [smem:$0x3FD0];
	(tm) =	ssettm $0x1  }
0x91: {  	s18 =	sld [smem:$0x3FFB];
	_ =	sdelay $0x3  }
0x92: {  	_ =	strace s18  }
0x93: {  	s3 =	sld [smem:$0x3FFC];
	_ =	sdelay $0x3  }
0x94: {  	_ =	strace s3  }
0x95: {  	s3 =	sld [smem:$0x3FFD];
	_ =	sdelay $0x3  }
0x96: {  	_ =	strace s3  }
0x97: {  	_ =	strace $0x8FFFFFFF  }
0x98: {  	s19 =	sld [smem:$0x3FDB];
	_ =	sdelay $0x1  }
0x99: {  	s4 =	simm.s32 $_scs_section_size  }
0x9a: {  	s5 =	simm.s32 $_size__tile_overlayer_lowered;
	s6 =	simm.s32 $_tile_overlayer_lowered  }
0x9b: {  	s22 =	simm.s32 $0x1BFF;
	s21 =	sshll.u32 s6, $0x1;
	s3 =	sadd.s32 s4, s19  }
0x9c: {  	s7 =	simm.s32 $0x0;
	s20 =	sshll.u32 s5, $0x1;
	s5 =	sadd.s32 s21, s3  }
0x9d: {  	[timem:s7], [sflag:s22] =	dma.local [hbm:s5], s20  }
0x9e: {  	_ =	swait.ge [sflag:s22], s20  }
0x9f: {  	s4 =	ssub.s32 $0x0, s20;
	[sflag:s22] =	ssyncset.done $0x0  }
0xa0: {  	[sflag:s22] =	ssyncadd.s32 s4;
	_ =	sdelay $0x1  }
0xa1: {  	s23 =	simm.s32 $0x1B8B  }
0xa2: {  	_ =	swait.ge [sflag:s23], $0x1  }
0xa3: {  	[sflag:s23] =	ssyncset.done $0x0  }
0xa4: {  	s25 =	simm.s32 $0x1B8E;
	s24 =	sld [smem:$0x3FFE];
	[sflag:s23] =	ssyncadd.s32 $0xFFFFFFFF  }
0xa5: {  	s26 =	simm.s32 $execute0_lowered;
	[smem:$0x3FD2] =	sst s25  }
0xa6: {  	s5 =	sshll.u32 s26, $0x1;
	_ =	strace $0x80000046;
	[dreg:$0x1] =	wrdreg $0xFFFFFFFF  }
0xa7: {  	s28 =	simm.s32 $_size_execute0_lowered;
	s3 =	sadd.s32 s3, s5;
	[dreg:$0x0] =	wrdreg $0x0  }
0xa8: {  	s5 =	sshll.u32 s28, $0x1;
	[dreg:$0x2] =	wrdreg s3  }
0xa9: {  	[dreg:$0x3] =	wrdreg s5  }
0xaa: {  	[dreg:$0x4] =	wrdreg $0xC0  }
0xab: {  	_ =	task [dreg:s7], $0x5FFFF  }
0xac: {  	[dreg:$0x1] =	wrdreg $0xFFFFFFFF  }
0xad: {  	[dreg:$0x0] =	wrdreg $0x60  }
0xae: {  	[dreg:$0x2] =	wrdreg s24  }
0xaf: {  	[dreg:$0x3] =	wrdreg s2  }
0xb0: {  	[dreg:$0x4] =	wrdreg $0x90000  }
0xb1: {  	[dreg:$0x5] =	wrdreg $0xE8000  }
0xb2: {  	[dreg:$0x6] =	wrdreg $0x9  }
0xb3: {  	_ =	task.clear_ibuf [dreg:s7], $0x7FFFF;
	_ =	strace $0x90000046  }
0xb4: {  	s29 =	simm.s32 $0x9;
	_ =	strace $0x80000048  }
0xb5: {  	_ =	swait.ge [sflag:s29], $0x1  }
0xb6: {  	[sflag:s29] =	ssyncadd.s32 $0xFFFFFFFF  }
0xb7: {  	_ =	strace $0x90000048  }
0xb8: {  	_ =	sfence  }
0xb9: {  	s30 =	sld [smem:$0x0];
	_ =	sdelay $0x2  }
0xba: {  	s31 =	sshll.u32 s1, $0xD;
	s1 =	sshrl.u32 s1, $0x2  }
0xbb: {  	s3 =	sand.u32 $0x4000, s31;
	s1 =	sadd.s32 s1, s30  }
0xbc: {  	s0 =	sor.u32 s3, s0;
	s1 =	sshll.u32 s1, $0x11  }
0xbd: {  	s0 =	sor.u32 s1, s0  }
0xbe: {  	s0 =	sadd.s32 $0x8F2B, s0  }
0xbf: {  	[sflag:s0] =	ssyncadd.remote.s32 $0x1  }
0xc0: {  	_ =	sfence.sel $0xFFFF  }
0xc1: {  	[dreg:$0x0] =	wrdreg $0xFFFFFFFF;
	(pc) =	sbr.abs _section_cstart, $3  }
0xc2: {  	[dreg:$0x1] =	wrdreg $0xFFFFFFFF  }
0xc3: {  	_ =	task.clear_ibuf [dreg:s7], $0x2FFFF;
	_ =	strace $0x9FFFFFFF  }
0xc4: {  	(tm) =	ssettm $0x7FFFFFFF  }
0xc5: {  	_ =	shalt  }
tec
execute0_lowered:
.L_overlay_start_1:
0x0: {  	(tag) =	ssettag $0x1  }
0x1: {  	s1 =	rddreg [dreg:$0x0]  }
0x2: {  	s0 =	srdreg.scid;
	s3 =	rddreg [dreg:$0x2]  }
0x3: {  	s12 =	stileid.u32;
	s4 =	rddreg [dreg:$0x3]  }
0x4: {  	s5 =	simm.s32 $0x0;
	s16 =	simm.s32 $0xD;
	s18 =	simm.s32 $0xE000  }
0x5: {  	s19 =	simm.s32 $0x2800;
	s20 =	simm.s32 $0x80;
	s21 =	simm.s32 $0x5000  }
0x6: {  	s22 =	simm.s32 $0x6000;
	s28 =	simm.s32 $0x8000;
	s29 =	simm.s32 $0x2  }
0x7: {  	s31 =	simm.s32 $0x5;
	s14 =	simm.s32 $0x0;
	s7 =	smul.u32 $0x5000, s12  }
0x8: {  	s0 =	sand.u32 $0x1, s0;
	[smem:$0x7FF] =	sst s5;
	s10 =	smul.u32 $0x2800, s12  }
0x9: {  	s6 =	sadd.s32 $0x1C00, s1;
	s11 =	sadd.s32 $0x1FE00, s1;
	s23 =	sadd.s32 $0x1FC00, s1  }
0xa: {  	s25 =	sshll.u32 s12, $0x6;
	s2 =	sshll.u32 s0, $0x4;
	s8 =	smul.u32 $0x50000, s0  }
0xb: {  	_ =	strace $0x80000047;
	s9 =	smul.u32 $0x28000, s0;
	[dreg:$0x5] =	wrdreg s11  }
0xc: {  	[dreg:$0x6] =	wrdreg s23;
	s0 =	ssub.s32 $0x2, s0;
	s23 =	simm.s32 $0xA  }
0xd: {  	s11 =	simm.s32 $0xC;
	s2 =	sor.u32 s12, s2;
	s24 =	sshrl.u32 s0, $0x1  }
0xe: {  	s2 =	smul.u32 $0x500, s2;
	s8 =	sadd.s32 s7, s8;
	s9 =	sadd.s32 s10, s9  }
0xf: {  	s0 =	ssub.s32 s0, s24;
	s7 =	sadd.s32 s7, s3;
	s10 =	sadd.s32 s10, s4  }
0x10: {  	s24 =	simm.s32 $0x7000;
	s8 =	sshrl.u32 s8, $0x3;
	s9 =	sshrl.u32 s9, $0x3  }
0x11: {  	s0 =	smax.u32 s0, $0x1;
	s15 =	sshrl.u32 s7, $0x3;
	s17 =	sshrl.u32 s10, $0x3  }
0x12: {  	s7 =	simm.s32 $0x7;
	s10 =	simm.s32 $0x8;
	s2 =	sadd.s32 s2, s1  }
0x13: {  	s8 =	sadd.s32 s8, s1;
	[dreg:$0xb] =	wrdreg s0;
	s26 =	sadd.s32 $0x15C00, s2  }
0x14: {  	s1 =	sadd.s32 s9, s1;
	s2 =	sadd.s32 $0xBC00, s2;
	[dreg:$0x7] =	wrdreg s26  }
0x15: {  	s9 =	sor.u32 $0x1C0D, s25;
	s30 =	sadd.s32 $0x20400, s8;
	[dreg:$0x8] =	wrdreg s2  }
0x16: {  	s25 =	simm.s32 $0x1;
	s1 =	sadd.s32 $0x34400, s1;
	[dreg:$0x9] =	wrdreg s30  }
0x17: {  	s0 =	simm.s32 $0x3;
	s8 =	simm.s32 $0xB;
	[dreg:$0xa] =	wrdreg s1  }
0x18: {  	s2 =	simm.s32 $0x9;
	s1 =	simm.s32 $0x6;
	s26 =	simm.s32 $0x4  }
.LBB2_1:
0x19: {  	s12 =	rddreg [dreg:$0x1]  }
0x1a: {  	[spmem:s15], [sflag:s9] =	dma.local [hbm:s12], $0xA00  }
0x1b: {  	_ =	swait.ge [sflag:s16], $0xA00  }
0x1c: {  	[sflag:s16] =	ssyncset.done $0x0  }
0x1d: {  	s13 =	rddreg [dreg:$0x5];
	[sflag:s16] =	ssyncadd.s32 $0xFFFFF600  }
0x1e: {  	[spmem:s17], [sflag:s9] =	dma.local [hbm:s13], $0x500  }
0x1f: {  	_ =	swait.ge [sflag:s16], $0x500  }
0x20: {  	[sflag:s16] =	ssyncset.done $0x0  }
0x21: {  	s13 =	rddreg [dreg:$0x6];
	[sflag:s16] =	ssyncadd.s32 $0xFFFFFB00  }
0x22: {  	[tilespmem:s18], [sflag:$0xD] =	stream.linear.gather [hbm4b:s13+s5], $0x800, $0x38;
	[tilespmem:$0x11000] =	vst v63  }
0x23: {  	_ =	swait.ge [sflag:s16], $0x800  }
0x24: {  	[sflag:s16] =	ssyncset.done $0x0  }
0x25: {  	s13 =	rddreg [dreg:$0x7];
	[sflag:s16] =	ssyncadd.s32 $0xFFFFF800  }
0x26: {  	[tilespmem:s5], [sflag:$0xD] =	stream.linear.gather [hbm4b:s13+s5], $0x2800, $0x38;
	[tilespmem:$0x11000] =	vst v63  }
0x27: {  	_ =	swait.ge [sflag:s16], $0x2800  }
0x28: {  	[sflag:s16] =	ssyncset.done $0x0  }
0x29: {  	s13 =	rddreg [dreg:$0x8];
	[sflag:s16] =	ssyncadd.s32 $0xFFFFD800  }
0x2a: {  	[tilespmem:s19], [sflag:$0xD] =	stream.linear.gather [hbm4b:s13+s5], $0x2800, $0x38;
	[tilespmem:$0x11000] =	vst v63  }
0x2b: {  	_ =	swait.ge [sflag:s16], $0x2800  }
0x2c: {  	[sflag:s16] =	ssyncset.done $0x0  }
0x2d: {  	[sflag:s16] =	ssyncadd.s32 $0xFFFFD800  }
0x2e: {  	[bflag:$0x0] =	sbarrier.arrive $0xFFFF  }
0x2f: {  	[tilespmem:s21], [sflag:$0x1] =	stream.indirect.gather [hbm4b:s6+s20], $0x20, s5, s20, $0xb8;
	[tilespmem:$0x11000] =	vst v63  }
0x30: {  	_ = 	snop  }
0x31: {  	[tilespmem:s22], [sflag:$0x2] =	stream.indirect.gather [hbm4b:s6+s20], $0x20, s20, s20, $0xb8;
	[tilespmem:$0x11000] =	vst v63  }
0x32: {  	s13 =	simm.s32 $0x100  }
0x33: {  	[tilespmem:s24], [sflag:$0x3] =	stream.indirect.gather [hbm4b:s6+s20], $0x20, s13, s20, $0xb8;
	[tilespmem:$0x11000] =	vst v63  }
0x34: {  	_ =	swait.ge [sflag:s25], $0x1000  }
0x35: {  	[sflag:s25] =	ssyncset.done $0x0  }
0x36: {  	[sflag:s25] =	ssyncadd.s32 $0xFFFFF000  }
0x37: {  	[spmem:s3] =	stream.indirect.scatter.add.f32 [tilespmem:s21], [sflag:$0x5], $0x20, s19, s20, $0xb8;
	[tilespmem:$0x11000] =	vst v63  }
0x38: {  	_ = 	snop  }
0x39: {  	[spmem:s4] =	stream.indirect.scatter.add.f32 [tilespmem:s18], [sflag:$0x9], $0x10, s19, s20, $0xb8;
	[tilespmem:$0x11000] =	vst v63  }
0x3a: {  	s13 =	simm.s32 $0x180  }
0x3b: {  	[tilespmem:s28], [sflag:$0x4] =	stream.indirect.gather [hbm4b:s6+s20], $0x20, s13, s20, $0xb8;
	[tilespmem:$0x11000] =	vst v63  }
0x3c: {  	_ =	swait.ge [sflag:s29], $0x1000  }
0x3d: {  	[sflag:s29] =	ssyncset.done $0x0  }
0x3e: {  	s13 =	simm.s32 $0x2880;
	[sflag:s29] =	ssyncadd.s32 $0xFFFFF000  }
0x3f: {  	[spmem:s3] =	stream.indirect.scatter.add.f32 [tilespmem:s22], [sflag:$0x6], $0x20, s13, s20, $0xb8;
	[tilespmem:$0x11000] =	vst v63  }
0x40: {  	_ = 	snop  }
0x41: {  	[spmem:s4] =	stream.indirect.scatter.add.f32 [tilespmem:s18], [sflag:$0xA], $0x10, s13, s20, $0xb8;
	[tilespmem:$0x11000] =	vst v63  }
0x42: {  	_ =	swait.ge [sflag:s31], $0x1000  }
0x43: {  	[sflag:s31] =	ssyncset.done $0x0  }
0x44: {  	[sflag:s31] =	ssyncadd.s32 $0xFFFFF000  }
0x45: {  	_ =	swait.ge [sflag:s2], $0x800  }
0x46: {  	[sflag:s2] =	ssyncset.done $0x0  }
0x47: {  	s13 =	simm.s32 $0x200;
	[sflag:s2] =	ssyncadd.s32 $0xFFFFF800  }
0x48: {  	[tilespmem:s21], [sflag:$0x1] =	stream.indirect.gather [hbm4b:s6+s20], $0x20, s13, s20, $0xb8;
	[tilespmem:$0x11000] =	vst v63  }
0x49: {  	_ =	swait.ge [sflag:s0], $0x1000  }
0x4a: {  	[sflag:s0] =	ssyncset.done $0x0  }
0x4b: {  	s13 =	simm.s32 $0x2900;
	[sflag:s0] =	ssyncadd.s32 $0xFFFFF000  }
0x4c: {  	[spmem:s3] =	stream.indirect.scatter.add.f32 [tilespmem:s24], [sflag:$0x7], $0x20, s13, s20, $0xb8;
	[tilespmem:$0x11000] =	vst v63  }
0x4d: {  	_ = 	snop  }
0x4e: {  	[spmem:s4] =	stream.indirect.scatter.add.f32 [tilespmem:s18], [sflag:$0xB], $0x10, s13, s20, $0xb8;
	[tilespmem:$0x11000] =	vst v63  }
0x4f: {  	_ =	swait.ge [sflag:s1], $0x1000  }
0x50: {  	[sflag:s1] =	ssyncset.done $0x0  }
0x51: {  	[sflag:s1] =	ssyncadd.s32 $0xFFFFF000  }
0x52: {  	_ =	swait.ge [sflag:s23], $0x800  }
0x53: {  	[sflag:s23] =	ssyncset.done $0x0  }
0x54: {  	s13 =	simm.s32 $0x280;
	[sflag:s23] =	ssyncadd.s32 $0xFFFFF800  }
0x55: {  	[tilespmem:s22], [sflag:$0x2] =	stream.indirect.gather [hbm4b:s6+s20], $0x20, s13, s20, $0xb8;
	[tilespmem:$0x11000] =	vst v63  }
0x56: {  	_ =	swait.ge [sflag:s26], $0x1000  }
0x57: {  	[sflag:s26] =	ssyncset.done $0x0  }
0x58: {  	s13 =	simm.s32 $0x2980;
	[sflag:s26] =	ssyncadd.s32 $0xFFFFF000  }
0x59: {  	[spmem:s3] =	stream.indirect.scatter.add.f32 [tilespmem:s28], [sflag:$0x8], $0x20, s13, s20, $0xb8;
	[tilespmem:$0x11000] =	vst v63  }
0x5a: {  	_ = 	snop  }
0x5b: {  	[spmem:s4] =	stream.indirect.scatter.add.f32 [tilespmem:s18], [sflag:$0xC], $0x10, s13, s20, $0xb8;
	[tilespmem:$0x11000] =	vst v63  }
0x5c: {  	_ =	swait.ge [sflag:s7], $0x1000  }
0x5d: {  	[sflag:s7] =	ssyncset.done $0x0  }
0x5e: {  	[sflag:s7] =	ssyncadd.s32 $0xFFFFF000  }
0x5f: {  	_ =	swait.ge [sflag:s8], $0x800  }
0x60: {  	[sflag:s8] =	ssyncset.done $0x0  }
0x61: {  	s13 =	simm.s32 $0x300;
	[sflag:s8] =	ssyncadd.s32 $0xFFFFF800  }
0x62: {  	[tilespmem:s24], [sflag:$0x3] =	stream.indirect.gather [hbm4b:s6+s20], $0x20, s13, s20, $0xb8;
	[tilespmem:$0x11000] =	vst v63  }
0x63: {  	_ =	swait.ge [sflag:s25], $0x1000  }
0x64: {  	[sflag:s25] =	ssyncset.done $0x0  }
0x65: {  	s13 =	simm.s32 $0x2A00;
	[sflag:s25] =	ssyncadd.s32 $0xFFFFF000  }
0x66: {  	[spmem:s3] =	stream.indirect.scatter.add.f32 [tilespmem:s21], [sflag:$0x5], $0x20, s13, s20, $0xb8;
	[tilespmem:$0x11000] =	vst v63  }
0x67: {  	_ = 	snop  }
0x68: {  	[spmem:s4] =	stream.indirect.scatter.add.f32 [tilespmem:s18], [sflag:$0x9], $0x10, s13, s20, $0xb8;
	[tilespmem:$0x11000] =	vst v63  }
0x69: {  	_ =	swait.ge [sflag:s10], $0x1000  }
0x6a: {  	[sflag:s10] =	ssyncset.done $0x0  }
0x6b: {  	[sflag:s10] =	ssyncadd.s32 $0xFFFFF000  }
0x6c: {  	_ =	swait.ge [sflag:s11], $0x800  }
0x6d: {  	[sflag:s11] =	ssyncset.done $0x0  }
0x6e: {  	s13 =	simm.s32 $0x380;
	[sflag:s11] =	ssyncadd.s32 $0xFFFFF800  }
0x6f: {  	[tilespmem:s28], [sflag:$0x4] =	stream.indirect.gather [hbm4b:s6+s20], $0x20, s13, s20, $0xb8;
	[tilespmem:$0x11000] =	vst v63  }
0x70: {  	_ =	swait.ge [sflag:s29], $0x1000  }
0x71: {  	[sflag:s29] =	ssyncset.done $0x0  }
0x72: {  	s30 =	simm.s32 $0x800;
	s12 =	simm.s32 $0x2A80;
	[sflag:s29] =	ssyncadd.s32 $0xFFFFF000  }
0x73: {  	[spmem:s3] =	stream.indirect.scatter.add.f32 [tilespmem:s22], [sflag:$0x6], $0x20, s12, s20, $0xb8;
	[tilespmem:$0x11000] =	vst v63  }
.LBB2_2:
0x74: {  	[spmem:s4] =	stream.indirect.scatter.add.f32 [tilespmem:s18], [sflag:$0xA], $0x10, s12, s20, $0xb8;
	[tilespmem:$0x11000] =	vst v63  }
0x75: {  	s12 =	smov.u32 s30  }
0x76: {  	p0 =	sne.s32 s30, $0x9000;
	s30 =	sadd.s32 $0x800, s30;
	_ =	swait.ge [sflag:s31], $0x1000  }
0x77: {  	[sflag:s31] =	ssyncset.done $0x0  }
0x78: {  	[sflag:s31] =	ssyncadd.s32 $0xFFFFF000  }
0x79: {  	_ =	swait.ge [sflag:s2], $0x800  }
0x7a: {  	s12 =	sshra.s32 s12, $0x2;
	[sflag:s2] =	ssyncset.done $0x0  }
0x7b: {  	s13 =	sadd.s32 $0x200, s12;
	[sflag:s2] =	ssyncadd.s32 $0xFFFFF800  }
0x7c: {  	[tilespmem:s21], [sflag:$0x1] =	stream.indirect.gather [hbm4b:s6+s20], $0x20, s13, s20, $0xb8;
	[tilespmem:$0x11000] =	vst v63  }
0x7d: {  	_ =	swait.ge [sflag:s0], $0x1000  }
0x7e: {  	[sflag:s0] =	ssyncset.done $0x0  }
0x7f: {  	s13 =	sadd.s32 $0x2900, s12;
	[sflag:s0] =	ssyncadd.s32 $0xFFFFF000  }
0x80: {  	[spmem:s3] =	stream.indirect.scatter.add.f32 [tilespmem:s24], [sflag:$0x7], $0x20, s13, s20, $0xb8;
	[tilespmem:$0x11000] =	vst v63  }
0x81: {  	_ = 	snop  }
0x82: {  	[spmem:s4] =	stream.indirect.scatter.add.f32 [tilespmem:s18], [sflag:$0xB], $0x10, s13, s20, $0xb8;
	[tilespmem:$0x11000] =	vst v63  }
0x83: {  	_ =	swait.ge [sflag:s1], $0x1000  }
0x84: {  	[sflag:s1] =	ssyncset.done $0x0  }
0x85: {  	[sflag:s1] =	ssyncadd.s32 $0xFFFFF000  }
0x86: {  	_ =	swait.ge [sflag:s23], $0x800  }
0x87: {  	[sflag:s23] =	ssyncset.done $0x0  }
0x88: {  	s13 =	sadd.s32 $0x280, s12;
	[sflag:s23] =	ssyncadd.s32 $0xFFFFF800  }
0x89: {  	[tilespmem:s22], [sflag:$0x2] =	stream.indirect.gather [hbm4b:s6+s20], $0x20, s13, s20, $0xb8;
	[tilespmem:$0x11000] =	vst v63  }
0x8a: {  	_ =	swait.ge [sflag:s26], $0x1000  }
0x8b: {  	[sflag:s26] =	ssyncset.done $0x0  }
0x8c: {  	s13 =	sadd.s32 $0x2980, s12;
	[sflag:s26] =	ssyncadd.s32 $0xFFFFF000  }
0x8d: {  	[spmem:s3] =	stream.indirect.scatter.add.f32 [tilespmem:s28], [sflag:$0x8], $0x20, s13, s20, $0xb8;
	[tilespmem:$0x11000] =	vst v63  }
0x8e: {  	_ = 	snop  }
0x8f: {  	[spmem:s4] =	stream.indirect.scatter.add.f32 [tilespmem:s18], [sflag:$0xC], $0x10, s13, s20, $0xb8;
	[tilespmem:$0x11000] =	vst v63  }
0x90: {  	_ =	swait.ge [sflag:s7], $0x1000  }
0x91: {  	[sflag:s7] =	ssyncset.done $0x0  }
0x92: {  	[sflag:s7] =	ssyncadd.s32 $0xFFFFF000  }
0x93: {  	_ =	swait.ge [sflag:s8], $0x800  }
0x94: {  	[sflag:s8] =	ssyncset.done $0x0  }
0x95: {  	s13 =	sadd.s32 $0x300, s12;
	[sflag:s8] =	ssyncadd.s32 $0xFFFFF800  }
0x96: {  	[tilespmem:s24], [sflag:$0x3] =	stream.indirect.gather [hbm4b:s6+s20], $0x20, s13, s20, $0xb8;
	[tilespmem:$0x11000] =	vst v63  }
0x97: {  	_ =	swait.ge [sflag:s25], $0x1000  }
0x98: {  	[sflag:s25] =	ssyncset.done $0x0  }
0x99: {  	s13 =	sadd.s32 $0x2A00, s12;
	[sflag:s25] =	ssyncadd.s32 $0xFFFFF000  }
0x9a: {  	[spmem:s3] =	stream.indirect.scatter.add.f32 [tilespmem:s21], [sflag:$0x5], $0x20, s13, s20, $0xb8;
	[tilespmem:$0x11000] =	vst v63  }
0x9b: {  	_ = 	snop  }
0x9c: {  	[spmem:s4] =	stream.indirect.scatter.add.f32 [tilespmem:s18], [sflag:$0x9], $0x10, s13, s20, $0xb8;
	[tilespmem:$0x11000] =	vst v63  }
0x9d: {  	_ =	swait.ge [sflag:s10], $0x1000  }
0x9e: {  	[sflag:s10] =	ssyncset.done $0x0  }
0x9f: {  	[sflag:s10] =	ssyncadd.s32 $0xFFFFF000  }
0xa0: {  	_ =	swait.ge [sflag:s11], $0x800  }
0xa1: {  	[sflag:s11] =	ssyncset.done $0x0  }
0xa2: {  	s13 =	sadd.s32 $0x380, s12;
	[sflag:s11] =	ssyncadd.s32 $0xFFFFF800  }
0xa3: {  	[tilespmem:s28], [sflag:$0x4] =	stream.indirect.gather [hbm4b:s6+s20], $0x20, s13, s20, $0xb8;
	[tilespmem:$0x11000] =	vst v63  }
.Ltmp0:
0xa4: {  	_ = 	snop;
	(pc) =	sbr.rel @p0 .LBB2_2-.Ltmp0, $4  }
0xa5: {  	_ =	swait.ge [sflag:s29], $0x1000  }
0xa6: {  	[sflag:s29] =	ssyncset.done $0x0  }
0xa7: {  	s12 =	sadd.s32 $0x2A80, s12;
	[sflag:s29] =	ssyncadd.s32 $0xFFFFF000  }
0xa8: {  	[spmem:s3] =	stream.indirect.scatter.add.f32 [tilespmem:s22], [sflag:$0x6], $0x20, s12, s20, $0xb8;
	[tilespmem:$0x11000] =	vst v63  }
0xa9: {  	[spmem:s4] =	stream.indirect.scatter.add.f32 [tilespmem:s18], [sflag:$0xA], $0x10, s12, s20, $0xb8;
	[tilespmem:$0x11000] =	vst v63  }
0xaa: {  	_ =	swait.ge [sflag:s0], $0x1000  }
0xab: {  	[sflag:s0] =	ssyncset.done $0x0  }
0xac: {  	s30 =	simm.s32 $0x4F00;
	[sflag:s0] =	ssyncadd.s32 $0xFFFFF000  }
0xad: {  	[spmem:s3] =	stream.indirect.scatter.add.f32 [tilespmem:s24], [sflag:$0x7], $0x20, s30, s20, $0xb8;
	[tilespmem:$0x11000] =	vst v63  }
0xae: {  	_ = 	snop  }
0xaf: {  	[spmem:s4] =	stream.indirect.scatter.add.f32 [tilespmem:s18], [sflag:$0xB], $0x10, s30, s20, $0xb8;
	[tilespmem:$0x11000] =	vst v63  }
0xb0: {  	_ =	swait.ge [sflag:s26], $0x1000  }
0xb1: {  	[sflag:s26] =	ssyncset.done $0x0  }
0xb2: {  	s13 =	simm.s32 $0x4F80;
	[sflag:s26] =	ssyncadd.s32 $0xFFFFF000  }
0xb3: {  	[spmem:s3] =	stream.indirect.scatter.add.f32 [tilespmem:s28], [sflag:$0x8], $0x20, s13, s20, $0xb8;
	[tilespmem:$0x11000] =	vst v63  }
0xb4: {  	_ = 	snop  }
0xb5: {  	[spmem:s4] =	stream.indirect.scatter.add.f32 [tilespmem:s18], [sflag:$0xC], $0x10, s13, s20, $0xb8;
	[tilespmem:$0x11000] =	vst v63  }
0xb6: {  	_ =	swait.ge [sflag:s31], $0x1000  }
0xb7: {  	[sflag:s31] =	ssyncset.done $0x0  }
0xb8: {  	[sflag:s31] =	ssyncadd.s32 $0xFFFFF000  }
0xb9: {  	_ =	swait.ge [sflag:s2], $0x800  }
0xba: {  	[sflag:s2] =	ssyncset.done $0x0  }
0xbb: {  	[sflag:s2] =	ssyncadd.s32 $0xFFFFF800  }
0xbc: {  	_ =	swait.ge [sflag:s1], $0x1000  }
0xbd: {  	[sflag:s1] =	ssyncset.done $0x0  }
0xbe: {  	[sflag:s1] =	ssyncadd.s32 $0xFFFFF000  }
0xbf: {  	_ =	swait.ge [sflag:s23], $0x800  }
0xc0: {  	[sflag:s23] =	ssyncset.done $0x0  }
0xc1: {  	[sflag:s23] =	ssyncadd.s32 $0xFFFFF800  }
0xc2: {  	_ =	swait.ge [sflag:s7], $0x1000  }
0xc3: {  	[sflag:s7] =	ssyncset.done $0x0  }
0xc4: {  	[sflag:s7] =	ssyncadd.s32 $0xFFFFF000  }
0xc5: {  	_ =	swait.ge [sflag:s8], $0x800  }
0xc6: {  	[sflag:s8] =	ssyncset.done $0x0  }
0xc7: {  	[sflag:s8] =	ssyncadd.s32 $0xFFFFF800  }
0xc8: {  	_ =	swait.ge [sflag:s10], $0x1000  }
0xc9: {  	[sflag:s10] =	ssyncset.done $0x0  }
0xca: {  	[sflag:s10] =	ssyncadd.s32 $0xFFFFF000  }
0xcb: {  	_ =	swait.ge [sflag:s11], $0x800  }
0xcc: {  	[sflag:s11] =	ssyncset.done $0x0  }
0xcd: {  	[sflag:s11] =	ssyncadd.s32 $0xFFFFF800  }
0xce: {  	[bflag:$0x0] =	sbarrier.arrive $0xFFFF  }
0xcf: {  	s30 =	rddreg [dreg:$0x9]  }
0xd0: {  	[hbm:s30], [sflag:s9] =	dma.local [spmem:s15], $0xA00  }
0xd1: {  	_ =	swait.ge [sflag:s16], $0xA00  }
0xd2: {  	[sflag:s16] =	ssyncset.done $0x0  }
0xd3: {  	s13 =	rddreg [dreg:$0xa];
	[sflag:s16] =	ssyncadd.s32 $0xFFFFF600  }
0xd4: {  	[hbm:s13], [sflag:s9] =	dma.local [spmem:s17], $0x500  }
0xd5: {  	_ =	swait.ge [sflag:s16], $0x500  }
0xd6: {  	s14 =	sadd.s32 $0x1, s14;
	s30 =	rddreg [dreg:$0xb]  }
0xd7: {  	p0 =	sne.s32 s14, s30  }
.Ltmp1:
0xd8: {  	_ = 	snop;
	(pc) =	sbr.rel @p0 .LBB2_1-.Ltmp1, $3  }
0xd9: {  	_ =	sdelay $0x1  }
0xda: {  	[sflag:s16] =	ssyncset.done $0x0  }
0xdb: {  	[sflag:s16] =	ssyncadd.s32 $0xFFFFFB00  }
0xdc: {  	_ =	sfence.sel $0x180000  }
0xdd: {  	[bflag:$0x0] =	sbarrier.arrive $0xFFFF  }
0xde: {  	_ =	strace $0x90000047  }
0xdf: {  	s0 =	stileid.u32;
	[bflag:$0x2] =	sbarrier.arrive $0xFFFF  }
0xe0: {  	p0 =	sne.s32 s0, $0x0;
	s0 =	rddreg [dreg:$0x4]  }
0xe1: {  	s0 =	sadd.s32 @!p0 $0x100000, s0  }
0xe2: {  	[sflag:s0] =	ssyncadd.tile.s32 @!p0 $0x1;
	_ =	shalt  }
.Lfunc_end2:
_tile_overlayer_lowered:
.L_overlay_start_2:
0xe3: {  	(tag) =	ssettag $0x2  }
0xe4: {  	s0 =	rddreg [dreg:$0x0];
	s2 =	stileid.u32  }
0xe5: {  	s1 =	rddreg [dreg:$0x1];
	p0 =	sne.s32 s2, $0x0  }
0xe6: {  	s3 =	rddreg [dreg:$0x2];
	[bflag:$0x3] =	sbarrier.arrive $0xFFFF;
	s2 =	simm.s32 @!p0 $0x1C0D  }
0xe7: {  	[timem:s3], [sflag:s2] =	dma.local @!p0 [hbm:s0], s1  }
0xe8: {  	s0 =	simm.s32 @!p0 $0xD  }
0xe9: {  	_ =	swait.ge @!p0 [sflag:s0], s1  }
0xea: {  	s1 =	ssub.s32 @!p0 $0x0, s1;
	[sflag:s0] =	ssyncset.done @!p0 $0x0  }
0xeb: {  	[sflag:s0] =	ssyncadd.s32 @!p0 s1  }
0xec: {  	[bflag:$0x3] =	sbarrier.arrive $0xFFFF  }
0xed: {  	_ =	shalt  }

</sc_bundles>
